<compile_context>
chip_gen: v7x
topology: tpu7x:2x2x1
jax: 0.10.2.dev20260603
libtpu: 0.0.44.dev20260713+nightly
codegen_flags: <defaults>
</compile_context>

<pallas_src>
import jax
import jax.numpy as jnp
from jax.experimental import pallas as pl
from jax.experimental.pallas import tpu as pltpu

_K = 300
_KQ = 384
_NB = 2000


def _qmax_body(x_ref, o_ref):
    i = pl.program_id(1)
    m = jnp.max(x_ref[...], axis=-1)
    o_ref[0, i, :] = m[0]


def _query_max(pred_logits):
    B, N, C = pred_logits.shape
    nblk = N // _NB
    out = pl.pallas_call(
        _qmax_body,
        grid=(B, nblk),
        in_specs=[pl.BlockSpec((1, _NB, C), lambda b, i: (b, i, 0))],
        out_specs=pl.BlockSpec((1, nblk, _NB), lambda b, i: (b, 0, 0)),
        out_shape=jax.ShapeDtypeStruct((B, nblk, _NB), jnp.float32),
        compiler_params=pltpu.CompilerParams(
            dimension_semantics=("parallel", "arbitrary"),
        ),
    )(pred_logits)
    return out.reshape(B, N)


def kernel(pred_logits, pred_boxes, orig_target_sizes):
    B, N, C = pred_logits.shape
    K = _K

    qmax = _query_max(pred_logits)

    _, topq = jax.lax.top_k(qmax, _KQ)
    cand = jnp.take_along_axis(pred_logits, topq[..., None], axis=1)
    flatc = cand.reshape(B, _KQ * C)

    cv, cpos = jax.lax.top_k(flatc, 2 * K)
    q_of = jnp.take_along_axis(topq, cpos // C, axis=1)
    gflat = q_of * C + (cpos % C)
    _, gsorted, vsorted = jax.lax.sort(
        (-cv, gflat, cv), dimension=-1, num_keys=2)
    index = gsorted[:, :K]
    top_logits = vsorted[:, :K]

    labels = jnp.mod(index, C)
    qidx = index // C
    top_scores = jax.nn.sigmoid(top_logits)

    rows = jnp.take_along_axis(
        pred_boxes, qidx[..., None], axis=1)
    cx, cy, w, h = rows[..., 0], rows[..., 1], rows[..., 2], rows[..., 3]
    depths_flat = rows[..., 4]
    bbox = jnp.stack(
        [cx - 0.5 * w, cy - 0.5 * h, cx + 0.5 * w, cy + 0.5 * h], axis=-1)
    scale = jnp.tile(orig_target_sizes, (1, 2))[:, None, :]
    boxes_g = bbox * scale

    bytesort_input = jnp.concatenate([
        boxes_g,
        top_scores[..., None],
        depths_flat[..., None],
        labels.astype(jnp.float32)[..., None],
    ], axis=-1)

    return (labels, boxes_g, top_scores, depths_flat, bytesort_input)

# --- scband reference (transcript-rebuilt; emitter-appended) ---
"""Pipeline reference for scband-dfinepost-processor-56289841381598 (READ-ONLY COPY).

The authoritative reference and input builder live on the scoring server;
editing this copy changes nothing except your own understanding.
"""

import jax, jax.numpy as jnp
import numpy as np

B, N, C, K = 16, 20000, 80, 300

def setup_inputs(seed: int = 0) -> dict:
    key = jax.random.key(seed)
    k1, k2, k3 = jax.random.split(key, 3)
    pred_logits = jax.random.normal(k1, (B, N, C), dtype=jnp.float32)
    pred_boxes = jax.random.uniform(k2, (B, N, 5), dtype=jnp.float32)
    orig_target_sizes = jax.random.uniform(k3, (B, 2), dtype=jnp.float32) * 1000.0 + 100.0
    return {"pred_logits": pred_logits, "pred_boxes": pred_boxes, "orig_target_sizes": orig_target_sizes}

def reference(pred_logits, pred_boxes, orig_target_sizes):
    # split boxes (cxcywh) and depth channel
    boxes = pred_boxes[..., :-1]
    depths = pred_boxes[..., -1:]
    # box_convert cxcywh -> xyxy
    cx, cy, w, h = boxes[..., 0], boxes[..., 1], boxes[..., 2], boxes[..., 3]
    bbox_pred = jnp.stack([cx - 0.5 * w, cy - 0.5 * h, cx + 0.5 * w, cy + 0.5 * h], axis=-1)
    # scale by original image sizes: orig.repeat(1,2).unsqueeze(1) -> [B,1,4]
    scale = jnp.tile(orig_target_sizes, (1, 2))[:, None, :]
    bbox_pred = bbox_pred * scale
    # focal-loss path: sigmoid scores, topk over flattened [B, N*C]
    scores = jax.nn.sigmoid(pred_logits)
    flat = scores.reshape(scores.shape[0], -1)
    top_scores, index = jax.lax.top_k(flat, K)
    labels = jnp.mod(index, C)
    qidx = index // C
    gidx4 = jnp.broadcast_to(qidx[..., None], qidx.shape + (4,))
    boxes_g = jnp.take_along_axis(bbox_pred, gidx4, axis=1)
    depths_g = jnp.take_along_axis(depths, qidx[..., None], axis=1)
    depths_flat = depths_g[..., 0]
    labels_float = labels.astype(jnp.float32)
    bytesort_input = jnp.concatenate([
        boxes_g,
        top_scores[..., None],
        depths_flat[..., None],
        labels_float[..., None],
    ], axis=-1)
    # non-deploy mode returns per-image dicts; here return the stacked tensors
    return (labels, boxes_g, top_scores, depths_flat, bytesort_input)

if __name__ == "__main__":
    import jax
    _d = setup_inputs()
    print(jax.jit(kernel)(*tuple(_d.values())))

</pallas_src>

<mosaic_0001>
module attributes {stable_mosaic.version = 14 : i64} {
  func.func @_qmax_body(%arg0: i32, %arg1: i32, %arg2: memref<1x2000x80xf32, #tpu.memory_space<vmem>>, %arg3: memref<1x10x2000xf32, #tpu.memory_space<vmem>>) attributes {dimension_semantics = [#tpu.dimension_semantics<parallel>, #tpu.dimension_semantics<arbitrary>], iteration_bounds = array<i64: 16, 10>, scalar_prefetch = 0 : i64, scratch_operands = 0 : i64, tpu.core_type = #tpu.core_type<tc>, window_params = [{transform_indices = @transform_0, window_bounds = array<i64: 1, 2000, 80>}, {transform_indices = @transform_1, window_bounds = array<i64: 1, 10, 2000>}]} {
    %get3A = arith.constant 0 : index
    %get3A_0 = arith.constant 0 : index
    %get3A_1 = arith.constant 0 : index
    %get3A_2 = vector.load %arg2[%get3A, %get3A_0, %get3A_1] : memref<1x2000x80xf32, #tpu.memory_space<vmem>>, vector<1x2000x80xf32>
    %reduce_max3A = arith.constant dense<0xFF800000> : vector<1x2000xf32>
    %reduce_max3A_3 = vector.multi_reduction <maximumf>, %get3A_2, %reduce_max3A [2] : vector<1x2000x80xf32> to vector<1x2000xf32>
    %squeeze3A = vector.shape_cast %reduce_max3A_3 : vector<1x2000xf32> to vector<2000xf32>
    %swap3A = arith.constant 0 : index
    %swap3A_4 = arith.index_cast %arg1 : i32 to index
    %swap3A_5 = arith.constant 0 : index
    %swap3A_6 = vector.load %arg3[%swap3A, %swap3A_4, %swap3A_5] : memref<1x10x2000xf32, #tpu.memory_space<vmem>>, vector<1x1x2000xf32>
    %swap3A_7 = vector.shape_cast %swap3A_6 : vector<1x1x2000xf32> to vector<2000xf32>
    %swap3A_8 = vector.shape_cast %squeeze3A : vector<2000xf32> to vector<1x1x2000xf32>
    tpu.vector_store %arg3[%swap3A, %swap3A_4, %swap3A_5], %swap3A_8 {strides = array<i32>} : memref<1x10x2000xf32, #tpu.memory_space<vmem>>, vector<1x1x2000xf32>,
    return
  }
  func.func @transform_0(%arg0: i32, %arg1: i32) -> (i32, i32, i32) {
    %c0_i32 = arith.constant 0 : i32
    %c0_i32_0 = arith.constant 0 : i32
    return %arg0, %arg1, %c0_i32 : i32, i32, i32
  }
  func.func @transform_1(%arg0: i32, %arg1: i32) -> (i32, i32, i32) {
    %c0_i32 = arith.constant 0 : i32
    %c0_i32_0 = arith.constant 0 : i32
    %c0_i32_1 = arith.constant 0 : i32
    return %arg0, %c0_i32, %c0_i32_0 : i32, i32, i32
  }
}

</mosaic_0001>

<sc_bundles>
// kernel: gather_offload_async_start.1
scs
__scs_entry_jumppad:
0x0: {  	(pc) =	sbr.rel $0x88, $3  }
0x1: {  	(tag) =	ssettag $0x0;
	lr =	simm.s32 $0x1  }
0x2: {  	[smem:$0x3F9E] =	sst lr;
	_ =	strace $0xD0000000  }
0x3: {  	_ = 	snop  }
0x4: {  	_ = 	snop  }
0x5: {  	_ = 	snop  }
0x6: {  	_ = 	snop  }
0x7: {  	_ = 	snop  }
__scs_overlays_trampoline_lowered:
0x8: {  	[smem:$0x3FAD] =	sst s0  }
0x9: {  	[smem:$0x3FAE] =	sst s1  }
0xa: {  	[smem:$0x3FAF] =	sst s2  }
0xb: {  	[smem:$0x3FB0] =	sst s3  }
0xc: {  	[smem:$0x3FB1] =	sst s4  }
0xd: {  	[smem:$0x3FB2] =	sst s5  }
0xe: {  	[smem:$0x3FB3] =	sst s6  }
0xf: {  	[smem:$0x3FB4] =	sst s7  }
0x10: {  	[smem:$0x3FB5] =	sst s8  }
0x11: {  	[smem:$0x3FB6] =	sst s9;
	s0 =	simm.s32 @!p0 $0x0  }
0x12: {  	s1 =	sld [smem:$0x3F9C];
	s0 =	simm.s32 @p0 $0x1  }
0x13: {  	[smem:$0x3FB7] =	sst s0;
	s0 =	simm.s32 @!p1 $0x0  }
0x14: {  	s2 =	sld [smem:$0x3F9B];
	s0 =	simm.s32 @p1 $0x1  }
0x15: {  	[smem:$0x3FB8] =	sst s0;
	s0 =	simm.s32 @!p2 $0x0  }
0x16: {  	s3 =	sld [smem:$0x3FDB];
	s0 =	simm.s32 @p2 $0x1  }
0x17: {  	s4 =	simm.s32 $0x1BF5;
	[smem:$0x3FBA] =	sst s0  }
0x18: {  	s0 =	sld [smem:$0x3F9D];
	_ =	swait.ge [sflag:s4], $0x0  }
0x19: {  	s7 =	sld [smem:$0x3F9E]  }
0x1a: {  	s8 =	sadd.s32 $0xFFFFE003, lr  }
0x1b: {  	s9 =	sadd.s32 $0xFFFFFEF7, lr;
	s5 =	simm.s32 $0xFFFFFFFF;
	p2 =	slt.u32 s8, $0xFFFFF086  }
0x1c: {  	p1 =	slt.u32 s9, $0xF7A;
	s5 =	simm.s32 @!p2 $0x0  }
0x1d: {  	s5 =	simm.s32 @p1 $0x1;
	p0 =	seq.s32 s7, s2  }
0x1e: {  	s7 =	smul.u32 @!p0 $0xF7A, s2;
	p2 =	seq.s32 @!p0 s5, $0x0  }
0x1f: {  	s9 =	smul.u32 $0xF7A, s1;
	s8 =	simm.s32 @!p0 $0x1BF5;
	p2 =	por !p2, p0  }
0x20: {  	[sflag:s8] =	ssyncset.s32 @!p0 $0xFFFFF086;
	s6 =	sadd.s32 @!p0 s3, s7;
	s7 =	simm.s32 @!p0 $0x108  }
0x21: {  	s3 =	sadd.s32 s3, s9;
	s6 =	sadd.s32 @!p0 $0x88, s6;
	s7 =	simm.s32 @p2 $0x1082  }
0x22: {  	[simem:s7], [sflag:s8] =	dma.local @!p0 [hbm:s6], $0xF7A  }
0x23: {  	s9 =	sor.u32 $0xD0000000, s2;
	s6 =	simm.s32 $0x108;
	_ =	swait.ge @!p0 [sflag:s8], $0x0  }
0x24: {  	s3 =	sadd.s32 $0x88, s3;
	s6 =	simm.s32 @!p1 $0x1082;
	[sflag:s4] =	ssyncset.s32 $0xFFFFF086  }
0x25: {  	[simem:s6], [sflag:s4] =	dma.local [hbm:s3], $0xF7A  }
0x26: {  	[smem:$0x3F9E] =	sst s1;
	(tag) =	ssettag s2;
	_ =	strace s9  }
0x27: {  	s1 =	sld [smem:$0x3FAE]  }
0x28: {  	s2 =	sld [smem:$0x3FAF]  }
0x29: {  	s4 =	sld [smem:$0x3FB1]  }
0x2a: {  	p0 =	seq.s32 s5, $0x0;
	s5 =	sld [smem:$0x3FB2]  }
0x2b: {  	s6 =	sld [smem:$0x3FB3]  }
0x2c: {  	s7 =	sld [smem:$0x3FB4]  }
0x2d: {  	s3 =	simm.s32 $0x108;
	s8 =	sld [smem:$0x3FB5]  }
0x2e: {  	s3 =	simm.s32 @!p0 $0x1082;
	s9 =	sld [smem:$0x3FB6]  }
0x2f: {  	lr =	sadd.s32 s0, s3;
	s0 =	sld [smem:$0x3FAD]  }
0x30: {  	s3 =	sld [smem:$0x3FB0]  }
0x31: {  	[smem:$0x3FB9] =	sst s10  }
0x32: {  	s10 =	sld [smem:$0x3FB7];
	_ =	sdelay $0x3  }
0x33: {  	p0 =	seq.s32 s10, $0x1;
	s10 =	sld [smem:$0x3FB9];
	_ =	sdelay $0x3  }
0x34: {  	[smem:$0x3FB9] =	sst s10  }
0x35: {  	s10 =	sld [smem:$0x3FB8];
	_ =	sdelay $0x3  }
0x36: {  	p1 =	seq.s32 s10, $0x1;
	s10 =	sld [smem:$0x3FB9];
	_ =	sdelay $0x3  }
0x37: {  	[smem:$0x3FB9] =	sst s10  }
0x38: {  	s10 =	sld [smem:$0x3FBA]  }
0x39: {  	_ = 	snop;
	(pc) =	sbr.ind lr, $3  }
0x3a: {  	_ = 	snop  }
0x3b: {  	_ = 	snop  }
0x3c: {  	p2 =	seq.s32 s10, $0x1;
	s10 =	sld [smem:$0x3FB9]  }
0x3d: {  	_ =	shalt  }
0x3e: {  	_ =	shalt  }
0x3f: {  	_ =	shalt  }
0x40: {  	_ =	shalt  }
0x41: {  	_ =	shalt  }
0x42: {  	_ =	shalt  }
0x43: {  	_ =	shalt  }
0x44: {  	_ =	shalt  }
0x45: {  	_ =	shalt  }
0x46: {  	_ =	shalt  }
0x47: {  	_ =	shalt  }
0x48: {  	_ =	shalt  }
0x49: {  	_ =	shalt  }
0x4a: {  	_ =	shalt  }
0x4b: {  	_ =	shalt  }
0x4c: {  	_ =	shalt  }
0x4d: {  	_ =	shalt  }
0x4e: {  	_ =	shalt  }
0x4f: {  	_ =	shalt  }
0x50: {  	_ =	shalt  }
0x51: {  	_ =	shalt  }
0x52: {  	_ =	shalt  }
0x53: {  	_ =	shalt  }
0x54: {  	_ =	shalt  }
0x55: {  	_ =	shalt  }
0x56: {  	_ =	shalt  }
0x57: {  	_ =	shalt  }
0x58: {  	_ =	shalt  }
0x59: {  	_ =	shalt  }
0x5a: {  	_ =	shalt  }
0x5b: {  	_ =	shalt  }
0x5c: {  	_ =	shalt  }
0x5d: {  	_ =	shalt  }
0x5e: {  	_ =	shalt  }
0x5f: {  	_ =	shalt  }
0x60: {  	_ =	shalt  }
0x61: {  	_ =	shalt  }
0x62: {  	_ =	shalt  }
0x63: {  	_ =	shalt  }
0x64: {  	_ =	shalt  }
0x65: {  	_ =	shalt  }
0x66: {  	_ =	shalt  }
0x67: {  	_ =	shalt  }
0x68: {  	_ =	shalt  }
0x69: {  	_ =	shalt  }
0x6a: {  	_ =	shalt  }
0x6b: {  	_ =	shalt  }
0x6c: {  	_ =	shalt  }
0x6d: {  	_ =	shalt  }
0x6e: {  	_ =	shalt  }
0x6f: {  	_ =	shalt  }
0x70: {  	_ =	shalt  }
0x71: {  	_ =	shalt  }
0x72: {  	_ =	shalt  }
0x73: {  	_ =	shalt  }
0x74: {  	_ =	shalt  }
0x75: {  	_ =	shalt  }
0x76: {  	_ =	shalt  }
0x77: {  	_ =	shalt  }
0x78: {  	_ =	shalt  }
0x79: {  	_ =	shalt  }
0x7a: {  	_ =	shalt  }
0x7b: {  	_ =	shalt  }
0x7c: {  	_ =	shalt  }
0x7d: {  	_ =	shalt  }
0x7e: {  	_ =	shalt  }
0x7f: {  	_ =	shalt  }
0x80: {  	_ =	shalt  }
0x81: {  	_ =	shalt  }
0x82: {  	_ =	shalt  }
0x83: {  	_ =	shalt  }
0x84: {  	_ =	shalt  }
0x85: {  	_ =	shalt  }
0x86: {  	_ =	shalt  }
0x87: {  	_ =	shalt  }
.Lfunc_end0:
.L_simem_size_0:
called_computation.1_lowered:
.L_overlay_start_0:
0x88: {  	s2 =	sld [smem:$0x3FD9]  }
0x89: {  	s3 =	sld [smem:$0x3FFE];
	_ =	sdelay $0x1  }
0x8a: {  	s1 =	srdreg.scid  }
0x8b: {  	s0 =	sand.u32 $0x1, s1  }
0x8c: {  	s15 =	sshll.u32 s0, $0xA;
	s2 =	sadd.s32 s3, s2  }
0x8d: {  	s2 =	sadd.s32 s2, s15  }
0x8e: {  	[smem:$0x3FC5] =	sst s2  }
0x8f: {  	_ = 	snop  }
0x90: {  	s2 =	sld [smem:$0x3FD0];
	_ =	sdelay $0x2  }
0x91: {  	s16 =	simm.s32 $0xA;
	s4 =	simm.s32 $0x10  }
0x92: {  	[smem:s4], [sflag:s16] =	dma.local [hbm:s2], $0x1  }
0x93: {  	_ =	swait.eq [sflag:s16], $0x1  }
0x94: {  	s17 =	sld [smem:$0x11];
	[sflag:s16] =	ssyncset.done $0x0  }
0x95: {  	s18 =	sld [smem:$0x13];
	[sflag:s16] =	ssyncadd.s32 $0xFFFFFFFF  }
0x96: {  	s19 =	sld [smem:$0x14];
	(tm) =	ssettm $0x1  }
0x97: {  	s5 =	sld [smem:$0x3FFB];
	_ =	sdelay $0x3  }
0x98: {  	_ =	strace s5  }
0x99: {  	s5 =	sld [smem:$0x3FFC];
	_ =	sdelay $0x3  }
0x9a: {  	_ =	strace s5  }
0x9b: {  	s5 =	sld [smem:$0x3FFD];
	_ =	sdelay $0x3  }
0x9c: {  	_ =	strace s5  }
0x9d: {  	_ =	strace $0x8FFFFFFF  }
0x9e: {  	s20 =	sld [smem:$0x3FDB];
	_ =	sdelay $0x1  }
0x9f: {  	s6 =	simm.s32 $_scs_section_size  }
0xa0: {  	s7 =	simm.s32 $_size__tile_overlayer_lowered;
	s8 =	simm.s32 $_tile_overlayer_lowered  }
0xa1: {  	s23 =	simm.s32 $0x1BFF;
	s22 =	sshll.u32 s8, $0x1;
	s5 =	sadd.s32 s6, s20  }
0xa2: {  	s9 =	simm.s32 $0x0;
	s21 =	sshll.u32 s7, $0x1;
	s7 =	sadd.s32 s22, s5  }
0xa3: {  	[timem:s9], [sflag:s23] =	dma.local [hbm:s7], s21  }
0xa4: {  	_ =	swait.ge [sflag:s23], s21  }
0xa5: {  	s6 =	ssub.s32 $0x0, s21;
	[sflag:s23] =	ssyncset.done $0x0  }
0xa6: {  	[sflag:s23] =	ssyncadd.s32 s6;
	_ =	sdelay $0x1  }
0xa7: {  	s24 =	simm.s32 $0x1B8B  }
0xa8: {  	_ =	swait.ge [sflag:s24], $0x1  }
0xa9: {  	[sflag:s24] =	ssyncset.done $0x0  }
0xaa: {  	s25 =	simm.s32 $0x1B8E;
	[sflag:s24] =	ssyncadd.s32 $0xFFFFFFFF  }
0xab: {  	s26 =	simm.s32 $execute0_lowered;
	[smem:$0x3FD2] =	sst s25  }
0xac: {  	s6 =	sshll.u32 s26, $0x1;
	_ =	strace $0x80000049;
	[dreg:$0x1] =	wrdreg $0xFFFFFFFF  }
0xad: {  	s28 =	simm.s32 $_size_execute0_lowered;
	s5 =	sadd.s32 s5, s6;
	[dreg:$0x0] =	wrdreg $0x0  }
0xae: {  	s6 =	sshll.u32 s28, $0x1;
	[dreg:$0x2] =	wrdreg s5  }
0xaf: {  	[dreg:$0x3] =	wrdreg s6  }
0xb0: {  	[dreg:$0x4] =	wrdreg $0xC0  }
0xb1: {  	_ =	task [dreg:s9], $0x5FFFF  }
0xb2: {  	[dreg:$0x1] =	wrdreg $0xFFFFFFFF  }
0xb3: {  	[dreg:$0x0] =	wrdreg $0x60  }
0xb4: {  	[dreg:$0x2] =	wrdreg s18  }
0xb5: {  	[dreg:$0x3] =	wrdreg s17  }
0xb6: {  	[dreg:$0x4] =	wrdreg s19  }
0xb7: {  	[dreg:$0x5] =	wrdreg $0x9  }
0xb8: {  	_ =	task.clear_ibuf [dreg:s9], $0x6FFFF;
	_ =	strace $0x90000049  }
0xb9: {  	s29 =	simm.s32 $0x9;
	_ =	strace $0x8000004B  }
0xba: {  	_ =	swait.ge [sflag:s29], $0x1  }
0xbb: {  	[sflag:s29] =	ssyncadd.s32 $0xFFFFFFFF  }
0xbc: {  	_ =	strace $0x9000004B  }
0xbd: {  	_ =	sfence  }
0xbe: {  	s30 =	sld [smem:$0x0];
	_ =	sdelay $0x2  }
0xbf: {  	s31 =	sshll.u32 s1, $0xD;
	s1 =	sshrl.u32 s1, $0x2  }
0xc0: {  	s3 =	sand.u32 $0x4000, s31;
	s1 =	sadd.s32 s1, s30  }
0xc1: {  	s0 =	sor.u32 s3, s0;
	s1 =	sshll.u32 s1, $0x11  }
0xc2: {  	s0 =	sor.u32 s1, s0  }
0xc3: {  	s0 =	sadd.s32 $0x8F2B, s0  }
0xc4: {  	[sflag:s0] =	ssyncadd.remote.s32 $0x1  }
0xc5: {  	_ =	sfence.sel $0xFFFF  }
0xc6: {  	[dreg:$0x0] =	wrdreg $0xFFFFFFFF;
	(pc) =	sbr.abs _section_cstart, $3  }
0xc7: {  	[dreg:$0x1] =	wrdreg $0xFFFFFFFF  }
0xc8: {  	_ =	task.clear_ibuf [dreg:s9], $0x2FFFF;
	_ =	strace $0x9FFFFFFF  }
0xc9: {  	(tm) =	ssettm $0x7FFFFFFF  }
tec
execute0_lowered:
.L_overlay_start_1:
0x0: {  	(tag) =	ssettag $0x1  }
0x1: {  	s2 =	rddreg [dreg:$0x0]  }
0x2: {  	s3 =	rddreg [dreg:$0x1]  }
0x3: {  	s4 =	rddreg [dreg:$0x2];
	s1 =	stileid.u32  }
0x4: {  	s5 =	srdreg.scid;
	s0 =	rddreg [dreg:$0x3]  }
0x5: {  	_ =	strace $0x8000004A;
	s8 =	simm.s32 $0x1;
	s9 =	simm.s32 $0x1  }
0x6: {  	s10 =	simm.s32 $0x3;
	s6 =	sand.u32 $0x1, s5;
	s7 =	sshll.u32 s1, $0x1  }
0x7: {  	s13 =	simm.s32 $0x0;
	s5 =	simm.s32 $0x1;
	s6 =	sor.u32 s7, s6  }
.Ltmp0:
0x8: {  	[sflag:s5] =	ssyncpa.u1 $0x0;
	p0 =	slt.u32 s6, $0x9;
	(pc) =	sbr.rel .LBB2_1-.Ltmp0, $4  }
0x9: {  	s7 =	simm.s32 $0x2;
	s8 =	simm.s32 @!p0 $0x0;
	p0 =	sne.s32 s6, $0x8  }
0xa: {  	[sflag:s7] =	ssyncpa.u1 $0x0;
	s6 =	smul.u32 $0xF0, s6;
	s9 =	simm.s32 @!p0 $0x0  }
0xb: {  	s12 =	simm.s32 $0x0;
	[sflag:s10] =	ssyncpa.u1 $0x0;
	s8 =	sadd.s32 s9, s8  }
0xc: {  	vm0 =	vmmov $0xffff;
	s10 =	simm.s32 $0x0;
	s11 =	smov.u32 s6;
	s9 =	sadd.s32 $0x1, s8  }
.LBB2_4:
0xd: {  	vm1 =	veq.s32 v4, $0x80000000;
	v56 =	vand.u32 $0xF, v4;
	v6 =	vand.u32 $0x1FF, v6  }
0xe: {  	v2 =	vor.u32 v2, v5;
	v59 =	vshrl.u32 v1, $0x4;
	v60 =	vand.u32 $0xF, v1  }
0xf: {  	v4 =	vsel vm1, $0xFFFFFFFF, v56;
	v6 =	vsel vm1, $0xFFFFFFFF, v6;
	v2 =	vor.u32 v3, v2  }
0x10: {  	vm1 =	veq.s32 v1, $0x80000000;
	v5 =	vand.u32 $0x1FF, v59;
	v7 =	vshrl.u32 v4, $0x3  }
0x11: {  	v57 =	vshll.u32 v6, $0x3;
	v4 =	vshll.u32 v4, $0x7;
	v1 =	vsel vm1, $0xFFFFFFFF, v60  }
0x12: {  	v5 =	vsel vm1, $0xFFFFFFFF, v5;
	v6 =	vand.u32 $0x7F, v6;
	v7 =	vmul.u32 $0xC00, v7  }
0x13: {  	v58 =	vand.u32 $0xFFFFFC00, v57;
	v4 =	vand.u32 $0x380, v4;
	v61 =	vshrl.u32 v1, $0x3  }
0x14: {  	v62 =	vshll.u32 v5, $0x3;
	v3 =	vadd.s32 v7, v58;
	v7 =	vmul.u32 $0xC00, v61  }
0x15: {  	v1 =	vshll.u32 v1, $0x7;
	v3 =	vor.u32 v4, v3;
	v4 =	vand.u32 $0xFFFFFC00, v62  }
0x16: {  	v1 =	vand.u32 $0x380, v1;
	v3 =	vor.u32 v6, v3;
	v4 =	vadd.s32 v7, v4  }
0x17: {  	[tilespmem:s16], [sflag:$0x1] =	stream.indirect_vreg.gather [hbm4b:s2+s10], $0x1, v0, vm0, $0x4038;
	v63 =	vand.u32 $0x7F, v5;
	v1 =	vor.u32 v1, v4;
	[tilespmem:$0x3C0] =	vst v63  }
0x18: {  	s15 =	sadd.s32 $0x10, s15;
	(ifvalue) =	ssetifvalue $0x7FFFFFFF;
	v0 =	vor.u32 v63, v1  }
0x19: {  	[tilespmem:s15], [sflag:$0x1] =	stream.indirect_vreg.gather [hbm4b:s2+s10], $0x1, v2, vm0, $0x4038;
	[tilespmem:$0x3C0] =	vst v63  }
0x1a: {  	s15 =	sadd.s32 $0x10, s15;
	(ifvalue) =	ssetifvalue $0x7FFFFFFF  }
0x1b: {  	[tilespmem:s15], [sflag:$0x1] =	stream.indirect_vreg.gather [hbm4b:s2+s10], $0x1, v3, vm0, $0x4038;
	[tilespmem:$0x3C0] =	vst v63  }
0x1c: {  	s15 =	sadd.s32 $0x10, s15;
	(ifvalue) =	ssetifvalue $0x7FFFFFFF  }
0x1d: {  	[tilespmem:s15], [sflag:$0x1] =	stream.indirect_vreg.gather [hbm4b:s2+s10], $0x1, v0, vm0, $0x4038;
	[tilespmem:$0x3C0] =	vst v63  }
0x1e: {  	_ =	swait.ge [sflag:s5], $0xF0  }
0x1f: {  	s30 =	sshrl.u32 s13, $0x3;
	[sflag:s5] =	ssyncset.done $0x0  }
0x20: {  	s31 =	sand.u32 $0x7, s13;
	s15 =	sadd.s32 s4, s30;
	[sflag:s5] =	ssyncadd.s32 $0xFFFFFF10  }
0x21: {  	[hbm4b:s15+s31] =	stream.linear.scatter [tilespmem:s14], [sflag:$0x3], $0xF0, $0x38;
	[tilespmem:$0x3C0] =	vst v63  }
.LBB2_5:
0x22: {  	s15 =	sadd.s32 $0x1E00, s11  }
0x23: {  	p1 =	sgt.s32 s15, $0x257F  }
0x24: {  	s15 =	smov.u32 @p1 s6;
	p1 =	sne.s32 s12, s9  }
.Ltmp1:
0x25: {  	p0 =	slt.u32 s12, $0x2;
	(pc) =	sbr.rel @!p1 .LBB2_6-.Ltmp1, $4  }
0x26: {  	s14 =	simm.s32 @!p0 $0x3  }
0x27: {  	_ =	swait.ge @!p0 [sflag:s14], $0xF0  }
0x28: {  	s16 =	sadd.s32 $0x1, s12;
	s13 =	smov.u32 s11;
	[sflag:s14] =	ssyncset.done @!p0 $0x0  }
0x29: {  	s12 =	smov.u32 s16;
	s11 =	smov.u32 s15;
	[sflag:s14] =	ssyncadd.s32 @!p0 $0xFFFFFF10  }
.LBB2_1:
0x2a: {  	p0 =	sge.u32 s12, s8  }
0x2b: {  	s14 =	sxor.u32 @!p0 $0x1, s12  }
0x2c: {  	s14 =	smul.u32 @!p0 $0x3C0, s14  }
0x2d: {  	s31 =	sadd.s32 $0xFFFFFFFF, s12;
	s15 =	sshrl.u32 @!p0 s11, $0x3  }
0x2e: {  	s16 =	sand.u32 @!p0 $0x7, s11;
	s15 =	sadd.s32 @!p0 s3, s15;
	s14 =	sshra.s32 @!p0 s14, $0x2  }
0x2f: {  	[tilespmem:s14], [sflag:$0x2] =	stream.linear.gather @!p0 [hbm4b:s15+s16], $0xF0, $0x38;
	[tilespmem:$0x3C0] =	vst v63  }
0x30: {  	p0 =	sge.u32 s31, s8  }
.Ltmp2:
0x31: {  	_ = 	snop;
	(pc) =	sbr.rel @p0 .LBB2_5-.Ltmp2, $1  }
0x32: {  	_ =	sdelay $0x3  }
0x33: {  	s14 =	sand.u32 $0x1, s12  }
0x34: {  	_ =	swait.ge [sflag:s7], $0xF0;
	p0 =	seq.s32 s14, $0x1;
	s14 =	simm.s32 $0xF0  }
0x35: {  	[sflag:s7] =	ssyncset.done $0x0;
	s14 =	simm.s32 @!p0 $0x0  }
0x36: {  	[sflag:s7] =	ssyncadd.s32 $0xFFFFFF10;
	(ifvalue) =	ssetifvalue $0x7FFFFFFF;
	v0 =	vld.msk [tilespmem:s14+$0x0 ss:$0x1], $0xffff  }
0x37: {  	s15 =	sadd.s32 $0x10, s14  }
0x38: {  	v1 =	vld.msk [tilespmem:s15+$0x0 ss:$0x1], $0xffff;
	_ =	sdelay $0x2  }
0x39: {  	v2 =	vshrl.u32 v0, $0x4  }
0x3a: {  	vm1 =	veq.s32 v0, $0x80000000;
	v0 =	vand.u32 $0xF, v0;
	v2 =	vand.u32 $0x1FF, v2  }
0x3b: {  	v0 =	vsel vm1, $0xFFFFFFFF, v0;
	v6 =	vshrl.u32 v1, $0x4;
	v2 =	vsel vm1, $0xFFFFFFFF, v2  }
0x3c: {  	v3 =	vshrl.u32 v0, $0x3;
	v0 =	vshll.u32 v0, $0x7;
	vm1 =	veq.s32 v1, $0x80000000  }
0x3d: {  	s15 =	sadd.s32 $0x10, s15;
	v1 =	vand.u32 $0xF, v1;
	v4 =	vshll.u32 v2, $0x3;
	v3 =	vmul.u32 $0xC00, v3  }
0x3e: {  	v0 =	vand.u32 $0x380, v0;
	v7 =	vand.u32 $0x7F, v2;
	v5 =	vand.u32 $0xFFFFFC00, v4;
	v4 =	vld.msk [tilespmem:s15+$0x0 ss:$0x1], $0xffff  }
0x3f: {  	v1 =	vsel vm1, $0xFFFFFFFF, v1;
	v2 =	vadd.s32 v3, v5;
	v3 =	vand.u32 $0x1FF, v6  }
0x40: {  	v3 =	vsel vm1, $0xFFFFFFFF, v3;
	v0 =	vor.u32 v0, v2;
	v2 =	vshrl.u32 v1, $0x3  }
0x41: {  	v1 =	vshll.u32 v1, $0x7;
	v5 =	vshll.u32 v3, $0x3;
	v8 =	vmul.u32 $0xC00, v2  }
0x42: {  	s18 =	simm.s32 $0x30;
	s14 =	sadd.s32 $0x1E0, s14;
	s17 =	sadd.s32 $0x10, s15;
	v2 =	vand.u32 $0x380, v1;
	v0 =	vor.u32 v7, v0;
	v5 =	vand.u32 $0xFFFFFC00, v5  }
0x43: {  	s16 =	smov.u32 s14;
	s15 =	smov.u32 s14;
	v1 =	vld.msk [tilespmem:s17+$0x0 ss:$0x1], $0xffff;
	v3 =	vand.u32 $0x7F, v3;
	(ifvalue) =	ssetifvalue $0x7FFFFFFF;
	v6 =	vshrl.u32 v4, $0x4;
	v5 =	vadd.s32 v8, v5  }
.LBB2_3:
0x44: {  	s18 =	sadd.s32 $0x10, s18  }
0x45: {  	vm1 =	veq.s32 v4, $0x80000000;
	v4 =	vand.u32 $0xF, v4;
	v6 =	vand.u32 $0x1FF, v6;
	s15 =	sadd.s32 $0x10, s15;
	p0 =	slt.u32 s18, $0xE0  }
.Ltmp3:
0x46: {  	v5 =	vor.u32 v2, v5;
	v4 =	vsel vm1, $0xFFFFFFFF, v4;
	v7 =	vsel vm1, $0xFFFFFFFF, v6;
	(pc) =	sbr.rel @p0 .LBB2_3-.Ltmp3, $4  }
0x47: {  	v2 =	vshrl.u32 v4, $0x3;
	v6 =	vshll.u32 v7, $0x3;
	v4 =	vshll.u32 v4, $0x7;
	[tilespmem:s16], [sflag:$0x1] =	stream.indirect_vreg.gather [hbm4b:s2+s10], $0x1, v0, vm0, $0x4038;
	[tilespmem:$0x3C0] =	vst v63  }
0x48: {  	v0 =	vor.u32 v3, v5;
	s16 =	smov.u32 s15;
	v8 =	vmul.u32 $0xC00, v2;
	v2 =	vand.u32 $0x380, v4  }
0x49: {  	s17 =	sadd.s32 $0x10, s17;
	v9 =	vand.u32 $0xFFFFFC00, v6  }
0x4a: {  	v3 =	vand.u32 $0x7F, v7;
	v6 =	vshrl.u32 v1, $0x4;
	v5 =	vadd.s32 v8, v9;
	(ifvalue) =	ssetifvalue $0x7FFFFFFF;
	v4 =	vmovc v1;
	v1 =	vld.msk [tilespmem:s17+$0x0 ss:$0x1], $0xffff  }
.Ltmp4:
0x4b: {  	_ = 	snop;
	(pc) =	sbr.rel .LBB2_4-.Ltmp4, $1  }
0x4c: {  	_ =	sdelay $0x3  }
.LBB2_6:
0x4d: {  	_ =	sfence.sel $0x180000  }
0x4e: {  	s2 =	simm.s32 $0x2;
	[bflag:$0x0] =	sbarrier.arrive $0xFFFF  }
0x4f: {  	s30 =	simm.s32 $0x3;
	[sflag:s2] =	ssyncpa.u1 $0x1  }
0x50: {  	s31 =	simm.s32 $0x1;
	[sflag:s30] =	ssyncpa.u1 $0x1  }
0x51: {  	[sflag:s31] =	ssyncpa.u1 $0x1  }
0x52: {  	p0 =	sne.s32 s1, $0x0;
	_ =	strace $0x9000004A  }
0x53: {  	s0 =	sadd.s32 @!p0 $0x100000, s0;
	[bflag:$0x2] =	sbarrier.arrive $0xFFFF  }
0x54: {  	[sflag:s0] =	ssyncadd.tile.s32 @!p0 $0x1;
	_ =	shalt  }
.Lfunc_end2:
_tile_overlayer_lowered:
.L_overlay_start_2:
0x55: {  	(tag) =	ssettag $0x2  }
0x56: {  	s0 =	rddreg [dreg:$0x0];
	s2 =	stileid.u32  }
0x57: {  	s1 =	rddreg [dreg:$0x1];
	p0 =	sne.s32 s2, $0x0  }
0x58: {  	s3 =	rddreg [dreg:$0x2];
	[bflag:$0x3] =	sbarrier.arrive $0xFFFF;
	s2 =	simm.s32 @!p0 $0x1C01  }
0x59: {  	[timem:s3], [sflag:s2] =	dma.local @!p0 [hbm:s0], s1  }
0x5a: {  	s0 =	simm.s32 @!p0 $0x1  }
0x5b: {  	_ =	swait.ge @!p0 [sflag:s0], s1  }
0x5c: {  	s1 =	ssub.s32 @!p0 $0x0, s1;
	[sflag:s0] =	ssyncset.done @!p0 $0x0  }
0x5d: {  	[sflag:s0] =	ssyncadd.s32 @!p0 s1  }
0x5e: {  	[bflag:$0x3] =	sbarrier.arrive $0xFFFF  }
0x5f: {  	_ =	shalt  }

// kernel: gather_offload_async_start.2
scs
__scs_entry_jumppad:
0x0: {  	(pc) =	sbr.rel $0x88, $3  }
0x1: {  	(tag) =	ssettag $0x0;
	lr =	simm.s32 $0x1  }
0x2: {  	[smem:$0x3F9E] =	sst lr;
	_ =	strace $0xD0000000  }
0x3: {  	_ = 	snop  }
0x4: {  	_ = 	snop  }
0x5: {  	_ = 	snop  }
0x6: {  	_ = 	snop  }
0x7: {  	_ = 	snop  }
__scs_overlays_trampoline_lowered:
0x8: {  	[smem:$0x3FAD] =	sst s0  }
0x9: {  	[smem:$0x3FAE] =	sst s1  }
0xa: {  	[smem:$0x3FAF] =	sst s2  }
0xb: {  	[smem:$0x3FB0] =	sst s3  }
0xc: {  	[smem:$0x3FB1] =	sst s4  }
0xd: {  	[smem:$0x3FB2] =	sst s5  }
0xe: {  	[smem:$0x3FB3] =	sst s6  }
0xf: {  	[smem:$0x3FB4] =	sst s7  }
0x10: {  	[smem:$0x3FB5] =	sst s8  }
0x11: {  	[smem:$0x3FB6] =	sst s9;
	s0 =	simm.s32 @!p0 $0x0  }
0x12: {  	s1 =	sld [smem:$0x3F9C];
	s0 =	simm.s32 @p0 $0x1  }
0x13: {  	[smem:$0x3FB7] =	sst s0;
	s0 =	simm.s32 @!p1 $0x0  }
0x14: {  	s2 =	sld [smem:$0x3F9B];
	s0 =	simm.s32 @p1 $0x1  }
0x15: {  	[smem:$0x3FB8] =	sst s0;
	s0 =	simm.s32 @!p2 $0x0  }
0x16: {  	s3 =	sld [smem:$0x3FDB];
	s0 =	simm.s32 @p2 $0x1  }
0x17: {  	s4 =	simm.s32 $0x1BF5;
	[smem:$0x3FBA] =	sst s0  }
0x18: {  	s0 =	sld [smem:$0x3F9D];
	_ =	swait.ge [sflag:s4], $0x0  }
0x19: {  	s7 =	sld [smem:$0x3F9E]  }
0x1a: {  	s8 =	sadd.s32 $0xFFFFE003, lr  }
0x1b: {  	s9 =	sadd.s32 $0xFFFFFEF7, lr;
	s5 =	simm.s32 $0xFFFFFFFF;
	p2 =	slt.u32 s8, $0xFFFFF086  }
0x1c: {  	p1 =	slt.u32 s9, $0xF7A;
	s5 =	simm.s32 @!p2 $0x0  }
0x1d: {  	s5 =	simm.s32 @p1 $0x1;
	p0 =	seq.s32 s7, s2  }
0x1e: {  	s7 =	smul.u32 @!p0 $0xF7A, s2;
	p2 =	seq.s32 @!p0 s5, $0x0  }
0x1f: {  	s9 =	smul.u32 $0xF7A, s1;
	s8 =	simm.s32 @!p0 $0x1BF5;
	p2 =	por !p2, p0  }
0x20: {  	[sflag:s8] =	ssyncset.s32 @!p0 $0xFFFFF086;
	s6 =	sadd.s32 @!p0 s3, s7;
	s7 =	simm.s32 @!p0 $0x108  }
0x21: {  	s3 =	sadd.s32 s3, s9;
	s6 =	sadd.s32 @!p0 $0x88, s6;
	s7 =	simm.s32 @p2 $0x1082  }
0x22: {  	[simem:s7], [sflag:s8] =	dma.local @!p0 [hbm:s6], $0xF7A  }
0x23: {  	s9 =	sor.u32 $0xD0000000, s2;
	s6 =	simm.s32 $0x108;
	_ =	swait.ge @!p0 [sflag:s8], $0x0  }
0x24: {  	s3 =	sadd.s32 $0x88, s3;
	s6 =	simm.s32 @!p1 $0x1082;
	[sflag:s4] =	ssyncset.s32 $0xFFFFF086  }
0x25: {  	[simem:s6], [sflag:s4] =	dma.local [hbm:s3], $0xF7A  }
0x26: {  	[smem:$0x3F9E] =	sst s1;
	(tag) =	ssettag s2;
	_ =	strace s9  }
0x27: {  	s1 =	sld [smem:$0x3FAE]  }
0x28: {  	s2 =	sld [smem:$0x3FAF]  }
0x29: {  	s4 =	sld [smem:$0x3FB1]  }
0x2a: {  	p0 =	seq.s32 s5, $0x0;
	s5 =	sld [smem:$0x3FB2]  }
0x2b: {  	s6 =	sld [smem:$0x3FB3]  }
0x2c: {  	s7 =	sld [smem:$0x3FB4]  }
0x2d: {  	s3 =	simm.s32 $0x108;
	s8 =	sld [smem:$0x3FB5]  }
0x2e: {  	s3 =	simm.s32 @!p0 $0x1082;
	s9 =	sld [smem:$0x3FB6]  }
0x2f: {  	lr =	sadd.s32 s0, s3;
	s0 =	sld [smem:$0x3FAD]  }
0x30: {  	s3 =	sld [smem:$0x3FB0]  }
0x31: {  	[smem:$0x3FB9] =	sst s10  }
0x32: {  	s10 =	sld [smem:$0x3FB7];
	_ =	sdelay $0x3  }
0x33: {  	p0 =	seq.s32 s10, $0x1;
	s10 =	sld [smem:$0x3FB9];
	_ =	sdelay $0x3  }
0x34: {  	[smem:$0x3FB9] =	sst s10  }
0x35: {  	s10 =	sld [smem:$0x3FB8];
	_ =	sdelay $0x3  }
0x36: {  	p1 =	seq.s32 s10, $0x1;
	s10 =	sld [smem:$0x3FB9];
	_ =	sdelay $0x3  }
0x37: {  	[smem:$0x3FB9] =	sst s10  }
0x38: {  	s10 =	sld [smem:$0x3FBA]  }
0x39: {  	_ = 	snop;
	(pc) =	sbr.ind lr, $3  }
0x3a: {  	_ = 	snop  }
0x3b: {  	_ = 	snop  }
0x3c: {  	p2 =	seq.s32 s10, $0x1;
	s10 =	sld [smem:$0x3FB9]  }
0x3d: {  	_ =	shalt  }
0x3e: {  	_ =	shalt  }
0x3f: {  	_ =	shalt  }
0x40: {  	_ =	shalt  }
0x41: {  	_ =	shalt  }
0x42: {  	_ =	shalt  }
0x43: {  	_ =	shalt  }
0x44: {  	_ =	shalt  }
0x45: {  	_ =	shalt  }
0x46: {  	_ =	shalt  }
0x47: {  	_ =	shalt  }
0x48: {  	_ =	shalt  }
0x49: {  	_ =	shalt  }
0x4a: {  	_ =	shalt  }
0x4b: {  	_ =	shalt  }
0x4c: {  	_ =	shalt  }
0x4d: {  	_ =	shalt  }
0x4e: {  	_ =	shalt  }
0x4f: {  	_ =	shalt  }
0x50: {  	_ =	shalt  }
0x51: {  	_ =	shalt  }
0x52: {  	_ =	shalt  }
0x53: {  	_ =	shalt  }
0x54: {  	_ =	shalt  }
0x55: {  	_ =	shalt  }
0x56: {  	_ =	shalt  }
0x57: {  	_ =	shalt  }
0x58: {  	_ =	shalt  }
0x59: {  	_ =	shalt  }
0x5a: {  	_ =	shalt  }
0x5b: {  	_ =	shalt  }
0x5c: {  	_ =	shalt  }
0x5d: {  	_ =	shalt  }
0x5e: {  	_ =	shalt  }
0x5f: {  	_ =	shalt  }
0x60: {  	_ =	shalt  }
0x61: {  	_ =	shalt  }
0x62: {  	_ =	shalt  }
0x63: {  	_ =	shalt  }
0x64: {  	_ =	shalt  }
0x65: {  	_ =	shalt  }
0x66: {  	_ =	shalt  }
0x67: {  	_ =	shalt  }
0x68: {  	_ =	shalt  }
0x69: {  	_ =	shalt  }
0x6a: {  	_ =	shalt  }
0x6b: {  	_ =	shalt  }
0x6c: {  	_ =	shalt  }
0x6d: {  	_ =	shalt  }
0x6e: {  	_ =	shalt  }
0x6f: {  	_ =	shalt  }
0x70: {  	_ =	shalt  }
0x71: {  	_ =	shalt  }
0x72: {  	_ =	shalt  }
0x73: {  	_ =	shalt  }
0x74: {  	_ =	shalt  }
0x75: {  	_ =	shalt  }
0x76: {  	_ =	shalt  }
0x77: {  	_ =	shalt  }
0x78: {  	_ =	shalt  }
0x79: {  	_ =	shalt  }
0x7a: {  	_ =	shalt  }
0x7b: {  	_ =	shalt  }
0x7c: {  	_ =	shalt  }
0x7d: {  	_ =	shalt  }
0x7e: {  	_ =	shalt  }
0x7f: {  	_ =	shalt  }
0x80: {  	_ =	shalt  }
0x81: {  	_ =	shalt  }
0x82: {  	_ =	shalt  }
0x83: {  	_ =	shalt  }
0x84: {  	_ =	shalt  }
0x85: {  	_ =	shalt  }
0x86: {  	_ =	shalt  }
0x87: {  	_ =	shalt  }
.Lfunc_end0:
.L_simem_size_0:
called_computation.2_lowered:
.L_overlay_start_0:
0x88: {  	s2 =	sld [smem:$0x3FD9]  }
0x89: {  	s3 =	sld [smem:$0x3FFE];
	_ =	sdelay $0x1  }
0x8a: {  	s1 =	srdreg.scid  }
0x8b: {  	s0 =	sand.u32 $0x1, s1  }
0x8c: {  	s14 =	sshll.u32 s0, $0xA;
	s2 =	sadd.s32 s3, s2  }
0x8d: {  	s2 =	sadd.s32 s2, s14  }
0x8e: {  	[smem:$0x3FC5] =	sst s2  }
0x8f: {  	_ = 	snop  }
0x90: {  	s2 =	sld [smem:$0x3FD0];
	_ =	sdelay $0x2  }
0x91: {  	s15 =	simm.s32 $0xA;
	s4 =	simm.s32 $0x10  }
0x92: {  	[smem:s4], [sflag:s15] =	dma.local [hbm:s2], $0x1  }
0x93: {  	_ =	swait.eq [sflag:s15], $0x1  }
0x94: {  	[sflag:s15] =	ssyncset.done $0x0  }
0x95: {  	s16 =	sld [smem:$0x13];
	[sflag:s15] =	ssyncadd.s32 $0xFFFFFFFF  }
0x96: {  	s17 =	sld [smem:$0x14];
	(tm) =	ssettm $0x1  }
0x97: {  	s18 =	sld [smem:$0x3FFB];
	_ =	sdelay $0x3  }
0x98: {  	_ =	strace s18  }
0x99: {  	s4 =	sld [smem:$0x3FFC];
	_ =	sdelay $0x3  }
0x9a: {  	_ =	strace s4  }
0x9b: {  	s4 =	sld [smem:$0x3FFD];
	_ =	sdelay $0x3  }
0x9c: {  	_ =	strace s4  }
0x9d: {  	_ =	strace $0x8FFFFFFF  }
0x9e: {  	s19 =	sld [smem:$0x3FDB];
	_ =	sdelay $0x1  }
0x9f: {  	s5 =	simm.s32 $_scs_section_size  }
0xa0: {  	s6 =	simm.s32 $_size__tile_overlayer_lowered;
	s7 =	simm.s32 $_tile_overlayer_lowered  }
0xa1: {  	s22 =	simm.s32 $0x1BFF;
	s21 =	sshll.u32 s7, $0x1;
	s4 =	sadd.s32 s5, s19  }
0xa2: {  	s8 =	simm.s32 $0x0;
	s20 =	sshll.u32 s6, $0x1;
	s6 =	sadd.s32 s21, s4  }
0xa3: {  	[timem:s8], [sflag:s22] =	dma.local [hbm:s6], s20  }
0xa4: {  	_ =	swait.ge [sflag:s22], s20  }
0xa5: {  	s5 =	ssub.s32 $0x0, s20;
	[sflag:s22] =	ssyncset.done $0x0  }
0xa6: {  	[sflag:s22] =	ssyncadd.s32 s5;
	_ =	sdelay $0x1  }
0xa7: {  	s23 =	simm.s32 $0x1B8B  }
0xa8: {  	_ =	swait.ge [sflag:s23], $0x1  }
0xa9: {  	[sflag:s23] =	ssyncset.done $0x0  }
0xaa: {  	s25 =	simm.s32 $0x1B8E;
	s24 =	sld [smem:$0x3FFE];
	[sflag:s23] =	ssyncadd.s32 $0xFFFFFFFF  }
0xab: {  	s26 =	simm.s32 $execute0_lowered;
	[smem:$0x3FD2] =	sst s25  }
0xac: {  	s6 =	sshll.u32 s26, $0x1;
	_ =	strace $0x8000004C;
	[dreg:$0x1] =	wrdreg $0xFFFFFFFF  }
0xad: {  	s28 =	simm.s32 $_size_execute0_lowered;
	s4 =	sadd.s32 s4, s6;
	[dreg:$0x0] =	wrdreg $0x0  }
0xae: {  	s6 =	sshll.u32 s28, $0x1;
	[dreg:$0x2] =	wrdreg s4  }
0xaf: {  	[dreg:$0x3] =	wrdreg s6  }
0xb0: {  	[dreg:$0x4] =	wrdreg $0xC0  }
0xb1: {  	_ =	task [dreg:s8], $0x5FFFF  }
0xb2: {  	[dreg:$0x1] =	wrdreg $0xFFFFFFFF  }
0xb3: {  	[dreg:$0x0] =	wrdreg $0x60  }
0xb4: {  	[dreg:$0x2] =	wrdreg s24  }
0xb5: {  	[dreg:$0x3] =	wrdreg s16  }
0xb6: {  	[dreg:$0x4] =	wrdreg s17  }
0xb7: {  	[dreg:$0x5] =	wrdreg $0x9  }
0xb8: {  	_ =	task.clear_ibuf [dreg:s8], $0x6FFFF;
	_ =	strace $0x9000004C  }
0xb9: {  	s29 =	simm.s32 $0x9;
	_ =	strace $0x8000004E  }
0xba: {  	_ =	swait.ge [sflag:s29], $0x1  }
0xbb: {  	[sflag:s29] =	ssyncadd.s32 $0xFFFFFFFF  }
0xbc: {  	_ =	strace $0x9000004E  }
0xbd: {  	_ =	sfence  }
0xbe: {  	s30 =	sld [smem:$0x0];
	_ =	sdelay $0x2  }
0xbf: {  	s31 =	sshll.u32 s1, $0xD;
	s1 =	sshrl.u32 s1, $0x2  }
0xc0: {  	s3 =	sand.u32 $0x4000, s31;
	s1 =	sadd.s32 s1, s30  }
0xc1: {  	s0 =	sor.u32 s3, s0;
	s1 =	sshll.u32 s1, $0x11  }
0xc2: {  	s0 =	sor.u32 s1, s0  }
0xc3: {  	s0 =	sadd.s32 $0x8F2B, s0  }
0xc4: {  	[sflag:s0] =	ssyncadd.remote.s32 $0x1  }
0xc5: {  	_ =	sfence.sel $0xFFFF  }
0xc6: {  	[dreg:$0x0] =	wrdreg $0xFFFFFFFF;
	(pc) =	sbr.abs _section_cstart, $3  }
0xc7: {  	[dreg:$0x1] =	wrdreg $0xFFFFFFFF  }
0xc8: {  	_ =	task.clear_ibuf [dreg:s8], $0x2FFFF;
	_ =	strace $0x9FFFFFFF  }
0xc9: {  	(tm) =	ssettm $0x7FFFFFFF  }
tec
execute0_lowered:
.L_overlay_start_1:
0x0: {  	(tag) =	ssettag $0x1  }
0x1: {  	s5 =	rddreg [dreg:$0x0]  }
0x2: {  	s1 =	srdreg.scid;
	s2 =	rddreg [dreg:$0x1]  }
0x3: {  	s0 =	stileid.u32;
	s3 =	rddreg [dreg:$0x2]  }
0x4: {  	s9 =	simm.s32 $0x1;
	s10 =	simm.s32 $0x3;
	s1 =	sshll.u32 s1, $0x7  }
0x5: {  	s13 =	simm.s32 $0x0;
	s4 =	sshll.u32 s0, $0x8;
	s6 =	sand.u32 $0x80, s1  }
0x6: {  	s12 =	simm.s32 $0x0;
	s5 =	sadd.s32 $0x4FA000, s5;
	s4 =	sor.u32 s4, s6  }
0x7: {  	s1 =	rddreg [dreg:$0x3];
	_ =	strace $0x8000004D;
	s8 =	ssub.s32 $0x1300, s4  }
.Ltmp0:
0x8: {  	s6 =	simm.s32 $0x1;
	s7 =	sand.u32 $0xF80, s8;
	(pc) =	sbr.rel .LBB2_1-.Ltmp0, $4  }
0x9: {  	[sflag:s6] =	ssyncpa.u1 $0x0;
	s11 =	smov.u32 s4;
	p0 =	sne.s32 s7, $0x0  }
0xa: {  	s8 =	sshrl.u32 s8, $0xC;
	s7 =	simm.s32 $0x2;
	s9 =	simm.s32 @!p0 $0x0  }
0xb: {  	[sflag:s7] =	ssyncpa.u1 $0x0;
	p0 =	por $0x0, $0x0;
	s8 =	sadd.s32 s9, s8  }
0xc: {  	vm0 =	vmmov $0xffff;
	v0 =	vlaneseq.u32;
	[sflag:s10] =	ssyncpa.u1 $0x0;
	s10 =	simm.s32 $0x0;
	s9 =	sadd.s32 $0x1, s8  }
.LBB2_4:
0xd: {  	_ =	sdelay $0x3  }
0xe: {  	[tilespmem:s21], [sflag:$0x1] =	stream.indirect_vreg.gather [hbm4b:s5+s10], $0x1, v1, vm0, $0x4038;
	[tilespmem:$0x900] =	vst v63  }
0xf: {  	s15 =	sadd.s32 s17, s15  }
0x10: {  	v1 =	vld.msk [tilespmem:s15+$0x0 ss:$0x1], $0xffff;
	_ =	sdelay $0x4  }
0x11: {  	v2 =	vshrl.u32 v1, $0x4  }
0x12: {  	v3 =	vand.u32 $0xF, v1;
	vm1 =	veq.s32 v1, $0x80000000;
	v1 =	vand.u32 $0x7FFF, v2  }
0x13: {  	p1 =	sgt.s32 s18, $0x0;
	v2 =	vmul.u32 $0x27400, v3;
	v1 =	vsel vm1, $0xFFFFFFFF, v1  }
0x14: {  	s18 =	simm.s32 @!p1 $0x0;
	v3 =	vshll.u32 v1, $0x3  }
0x15: {  	s22 =	smin.u32 s18, $0x10;
	v2 =	vsel vm1, $0xFFFD8C00, v2;
	v3 =	vand.u32 $0xFFFFFC00, v3  }
0x16: {  	v1 =	vand.u32 $0x7F, v1;
	v2 =	vadd.s32 v2, v3;
	v3 =	vmov s22  }
0x17: {  	v1 =	vor.u32 v1, v2;
	vm1 =	vgt.u32 v3, v0  }
0x18: {  	v2 =	vnsel vm1, $0x7FFFFFFF, v1;
	_ =	sdelay $0x1  }
0x19: {  	v3 =	vor.u32 $0x80, v1  }
0x1a: {  	(ifvalue) =	ssetifvalue $0x7FFFFFFF;
	v3 =	vnsel vm1, $0x7FFFFFFF, v3  }
0x1b: {  	s23 =	sadd.s32 s17, s16;
	(ifvalue) =	ssetifvalue $0x7FFFFFFF  }
0x1c: {  	v4 =	vor.u32 $0x100, v1;
	[tilespmem:s23], [sflag:$0x1] =	stream.indirect_vreg.gather [hbm4b:s5+s10], $0x1, v2, vm0, $0x4038;
	[tilespmem:$0x900] =	vst v63  }
0x1d: {  	(ifvalue) =	ssetifvalue $0x7FFFFFFF;
	v2 =	vnsel vm1, $0x7FFFFFFF, v4  }
0x1e: {  	s16 =	sadd.s32 $0x80, s23;
	(ifvalue) =	ssetifvalue $0x7FFFFFFF  }
0x1f: {  	v60 =	vor.u32 $0x180, v1;
	[tilespmem:s16], [sflag:$0x1] =	stream.indirect_vreg.gather [hbm4b:s5+s10], $0x1, v3, vm0, $0x4038;
	[tilespmem:$0x900] =	vst v63  }
0x20: {  	v3 =	vnsel vm1, $0x7FFFFFFF, v60;
	(ifvalue) =	ssetifvalue $0x7FFFFFFF  }
0x21: {  	s24 =	sadd.s32 $0x100, s23;
	(ifvalue) =	ssetifvalue $0x7FFFFFFF  }
0x22: {  	v61 =	vor.u32 $0x200, v1;
	[tilespmem:s24], [sflag:$0x1] =	stream.indirect_vreg.gather [hbm4b:s5+s10], $0x1, v2, vm0, $0x4038;
	[tilespmem:$0x900] =	vst v63  }
0x23: {  	(ifvalue) =	ssetifvalue $0x7FFFFFFF;
	v2 =	vnsel vm1, $0x7FFFFFFF, v61  }
0x24: {  	s25 =	sadd.s32 $0x180, s23;
	(ifvalue) =	ssetifvalue $0x7FFFFFFF  }
0x25: {  	v62 =	vor.u32 $0x280, v1;
	[tilespmem:s25], [sflag:$0x1] =	stream.indirect_vreg.gather [hbm4b:s5+s10], $0x1, v3, vm0, $0x4038;
	[tilespmem:$0x900] =	vst v63  }
0x26: {  	v3 =	vnsel vm1, $0x7FFFFFFF, v62;
	(ifvalue) =	ssetifvalue $0x7FFFFFFF  }
0x27: {  	s26 =	sadd.s32 $0x200, s23;
	(ifvalue) =	ssetifvalue $0x7FFFFFFF  }
0x28: {  	v63 =	vor.u32 $0x300, v1;
	[tilespmem:s26], [sflag:$0x1] =	stream.indirect_vreg.gather [hbm4b:s5+s10], $0x1, v2, vm0, $0x4038;
	[tilespmem:$0x900] =	vst v63  }
0x29: {  	(ifvalue) =	ssetifvalue $0x7FFFFFFF;
	v2 =	vnsel vm1, $0x7FFFFFFF, v63  }
0x2a: {  	s28 =	sadd.s32 $0x280, s23;
	(ifvalue) =	ssetifvalue $0x7FFFFFFF  }
0x2b: {  	v1 =	vor.u32 $0x380, v1;
	[tilespmem:s28], [sflag:$0x1] =	stream.indirect_vreg.gather [hbm4b:s5+s10], $0x1, v3, vm0, $0x4038;
	[tilespmem:$0x900] =	vst v63  }
0x2c: {  	v1 =	vnsel vm1, $0x7FFFFFFF, v1;
	(ifvalue) =	ssetifvalue $0x7FFFFFFF  }
0x2d: {  	s29 =	sadd.s32 $0x300, s23;
	(ifvalue) =	ssetifvalue $0x7FFFFFFF  }
0x2e: {  	[tilespmem:s29], [sflag:$0x1] =	stream.indirect_vreg.gather [hbm4b:s5+s10], $0x1, v2, vm0, $0x4038;
	[tilespmem:$0x900] =	vst v63  }
0x2f: {  	(ifvalue) =	ssetifvalue $0x7FFFFFFF  }
0x30: {  	s30 =	sshll.u32 s13, $0x3;
	s15 =	sadd.s32 $0x380, s23;
	(ifvalue) =	ssetifvalue $0x7FFFFFFF  }
0x31: {  	[tilespmem:s15], [sflag:$0x1] =	stream.indirect_vreg.gather [hbm4b:s5+s10], $0x1, v1, vm0, $0x4038;
	[tilespmem:$0x900] =	vst v63  }
0x32: {  	s31 =	sand.u32 $0x78, s13;
	s15 =	sand.u32 $0xFFFFFC00, s30  }
0x33: {  	_ =	swait.ge [sflag:s6], $0x400;
	s13 =	sor.u32 s31, s15  }
0x34: {  	[sflag:s6] =	ssyncset.done $0x0;
	s13 =	sshrl.u32 s13, $0x3  }
0x35: {  	[sflag:s6] =	ssyncadd.s32 $0xFFFFFC00;
	s13 =	sadd.s32 s3, s13  }
0x36: {  	[hbm:s13] =	stream.linear.scatter [tilespmem:s14], [sflag:$0x3], $0x400, $0x38;
	[tilespmem:$0x900] =	vst v63  }
.LBB2_5:
0x37: {  	s15 =	sadd.s32 $0x1000, s11  }
0x38: {  	p2 =	sgt.s32 s15, $0x12FF  }
0x39: {  	s15 =	smov.u32 @p2 s4;
	p2 =	sne.s32 s12, s9  }
.Ltmp1:
0x3a: {  	p1 =	slt.u32 s12, $0x2;
	(pc) =	sbr.rel @!p2 .LBB2_6-.Ltmp1, $4  }
0x3b: {  	s14 =	simm.s32 @!p1 $0x3  }
0x3c: {  	s16 =	sadd.s32 $0x1, s12;
	_ =	swait.ge @!p1 [sflag:s14], $0x400  }
0x3d: {  	s13 =	smov.u32 s11;
	p0 =	por !p0, !p0;
	[sflag:s14] =	ssyncset.done @!p1 $0x0  }
0x3e: {  	s12 =	smov.u32 s16;
	s11 =	smov.u32 s15;
	[sflag:s14] =	ssyncadd.s32 @!p1 $0xFFFFFC00  }
.LBB2_1:
0x3f: {  	p1 =	sge.u32 s12, s8  }
0x40: {  	s14 =	sxor.u32 @!p1 $0xFFFFFFFF, s12  }
0x41: {  	s31 =	sadd.s32 $0xFFFFFFFF, s12;
	s15 =	sshrl.u32 @!p1 s11, $0x3;
	s14 =	sshll.u32 @!p1 s14, $0x7  }
0x42: {  	s16 =	sand.u32 @!p1 $0x7, s11;
	s15 =	sadd.s32 @!p1 s2, s15;
	s14 =	sand.u32 @!p1 $0x80, s14  }
0x43: {  	[tilespmem:s14], [sflag:$0x2] =	stream.linear.gather @!p1 [hbm4b:s15+s16], $0x80, $0x38;
	[tilespmem:$0x900] =	vst v63  }
0x44: {  	p1 =	sge.u32 s31, s8  }
.Ltmp2:
0x45: {  	_ = 	snop;
	(pc) =	sbr.rel @p1 .LBB2_5-.Ltmp2, $1  }
0x46: {  	_ =	sdelay $0x3  }
0x47: {  	s14 =	simm.s32 $0x1  }
0x48: {  	_ =	swait.ge [sflag:s7], $0x80;
	s14 =	simm.s32 @!p0 $0x0  }
0x49: {  	[sflag:s7] =	ssyncset.done $0x0;
	s15 =	sshll.u32 s14, $0x7  }
0x4a: {  	[sflag:s7] =	ssyncadd.s32 $0xFFFFFF80;
	s16 =	sadd.s32 $0x0, s15  }
0x4b: {  	v1 =	vld.msk [tilespmem:s16+$0x0 ss:$0x1], $0xffff;
	_ =	sdelay $0x3  }
0x4c: {  	s18 =	ssub.s32 $0x12C0, s13  }
0x4d: {  	p1 =	slt.s32 s18, $0x80;
	v2 =	vshrl.u32 v1, $0x4  }
0x4e: {  	s18 =	simm.s32 @!p1 $0x80;
	v3 =	vand.u32 $0xF, v1;
	vm1 =	veq.s32 v1, $0x80000000;
	v1 =	vand.u32 $0x7FFF, v2  }
0x4f: {  	p1 =	sgt.s32 s18, $0x0;
	s16 =	smov.u32 s18;
	v2 =	vmul.u32 $0x27400, v3;
	v1 =	vsel vm1, $0xFFFFFFFF, v1  }
0x50: {  	s16 =	simm.s32 @!p1 $0x0;
	v3 =	vshll.u32 v1, $0x3  }
0x51: {  	s16 =	smin.u32 s16, $0x10;
	v2 =	vsel vm1, $0xFFFD8C00, v2;
	v3 =	vand.u32 $0xFFFFFC00, v3  }
0x52: {  	v1 =	vand.u32 $0x7F, v1;
	v2 =	vadd.s32 v2, v3;
	v3 =	vmov s16  }
0x53: {  	v1 =	vor.u32 v1, v2;
	vm1 =	vgt.u32 v3, v0  }
0x54: {  	v2 =	vnsel vm1, $0x7FFFFFFF, v1;
	_ =	sdelay $0x1  }
0x55: {  	s14 =	sshll.u32 s14, $0xA;
	v3 =	vor.u32 $0x80, v1  }
0x56: {  	(ifvalue) =	ssetifvalue $0x7FFFFFFF;
	s16 =	sor.u32 $0x100, s14;
	v3 =	vnsel vm1, $0x7FFFFFFF, v3  }
0x57: {  	(ifvalue) =	ssetifvalue $0x7FFFFFFF;
	s19 =	sadd.s32 $0x0, s16  }
0x58: {  	v4 =	vor.u32 $0x100, v1;
	[tilespmem:s19], [sflag:$0x1] =	stream.indirect_vreg.gather [hbm4b:s5+s10], $0x1, v2, vm0, $0x4038;
	[tilespmem:$0x900] =	vst v63  }
0x59: {  	(ifvalue) =	ssetifvalue $0x7FFFFFFF;
	v2 =	vnsel vm1, $0x7FFFFFFF, v4  }
0x5a: {  	s25 =	sadd.s32 $0x80, s19;
	(ifvalue) =	ssetifvalue $0x7FFFFFFF  }
0x5b: {  	v60 =	vor.u32 $0x180, v1;
	[tilespmem:s25], [sflag:$0x1] =	stream.indirect_vreg.gather [hbm4b:s5+s10], $0x1, v3, vm0, $0x4038;
	[tilespmem:$0x900] =	vst v63  }
0x5c: {  	v3 =	vnsel vm1, $0x7FFFFFFF, v60;
	(ifvalue) =	ssetifvalue $0x7FFFFFFF  }
0x5d: {  	s26 =	sadd.s32 $0x100, s19;
	(ifvalue) =	ssetifvalue $0x7FFFFFFF  }
0x5e: {  	v61 =	vor.u32 $0x200, v1;
	[tilespmem:s26], [sflag:$0x1] =	stream.indirect_vreg.gather [hbm4b:s5+s10], $0x1, v2, vm0, $0x4038;
	[tilespmem:$0x900] =	vst v63  }
0x5f: {  	(ifvalue) =	ssetifvalue $0x7FFFFFFF;
	v2 =	vnsel vm1, $0x7FFFFFFF, v61  }
0x60: {  	s28 =	sadd.s32 $0x180, s19;
	(ifvalue) =	ssetifvalue $0x7FFFFFFF  }
0x61: {  	v62 =	vor.u32 $0x280, v1;
	[tilespmem:s28], [sflag:$0x1] =	stream.indirect_vreg.gather [hbm4b:s5+s10], $0x1, v3, vm0, $0x4038;
	[tilespmem:$0x900] =	vst v63  }
0x62: {  	v3 =	vnsel vm1, $0x7FFFFFFF, v62;
	(ifvalue) =	ssetifvalue $0x7FFFFFFF  }
0x63: {  	s29 =	sadd.s32 $0x200, s19;
	(ifvalue) =	ssetifvalue $0x7FFFFFFF  }
0x64: {  	v63 =	vor.u32 $0x300, v1;
	[tilespmem:s29], [sflag:$0x1] =	stream.indirect_vreg.gather [hbm4b:s5+s10], $0x1, v2, vm0, $0x4038;
	[tilespmem:$0x900] =	vst v63  }
0x65: {  	(ifvalue) =	ssetifvalue $0x7FFFFFFF;
	v2 =	vnsel vm1, $0x7FFFFFFF, v63  }
0x66: {  	s17 =	sadd.s32 $0x280, s19;
	(ifvalue) =	ssetifvalue $0x7FFFFFFF  }
0x67: {  	v1 =	vor.u32 $0x380, v1;
	[tilespmem:s17], [sflag:$0x1] =	stream.indirect_vreg.gather [hbm4b:s5+s10], $0x1, v3, vm0, $0x4038;
	[tilespmem:$0x900] =	vst v63  }
0x68: {  	s30 =	sand.u32 $0x1, s12;
	s20 =	simm.s32 $0x80;
	v1 =	vnsel vm1, $0x7FFFFFFF, v1;
	(ifvalue) =	ssetifvalue $0x7FFFFFFF  }
0x69: {  	s14 =	sshll.u32 s30, $0xA;
	s31 =	sadd.s32 $0x300, s19;
	(ifvalue) =	ssetifvalue $0x7FFFFFFF  }
0x6a: {  	[tilespmem:s31], [sflag:$0x1] =	stream.indirect_vreg.gather [hbm4b:s5+s10], $0x1, v2, vm0, $0x4038;
	[tilespmem:$0x900] =	vst v63  }
0x6b: {  	s18 =	sadd.s32 $0xFFFFFFF0, s18;
	s14 =	sor.u32 $0x100, s14;
	(ifvalue) =	ssetifvalue $0x7FFFFFFF  }
0x6c: {  	s21 =	sadd.s32 $0x380, s19;
	s17 =	simm.s32 $0x10;
	(ifvalue) =	ssetifvalue $0x7FFFFFFF  }
.LBB2_3:
0x6d: {  	[tilespmem:s21], [sflag:$0x1] =	stream.indirect_vreg.gather [hbm4b:s5+s10], $0x1, v1, vm0, $0x4038;
	[tilespmem:$0x900] =	vst v63  }
0x6e: {  	s19 =	smov.u32 s20  }
0x6f: {  	s22 =	sadd.s32 s17, s15;
	s21 =	sshra.s32 s19, $0x2;
	s19 =	sadd.s32 $0x40, s20  }
0x70: {  	p1 =	sne.s32 s20, $0x1C0;
	v1 =	vld.msk [tilespmem:s22+$0x0 ss:$0x1], $0xffff  }
0x71: {  	(ifvalue) =	ssetifvalue $0x7FFFFFFF;
	_ =	sdelay $0x4  }
0x72: {  	v2 =	vand.u32 $0xF, v1;
	v3 =	vshrl.u32 v1, $0x4  }
0x73: {  	vm1 =	veq.s32 v1, $0x80000000;
	v1 =	vand.u32 $0x7FFF, v3;
	v2 =	vmul.u32 $0x27400, v2  }
0x74: {  	p2 =	sgt.s32 s18, $0x0;
	s20 =	smov.u32 s18;
	v1 =	vsel vm1, $0xFFFFFFFF, v1  }
0x75: {  	s20 =	simm.s32 @!p2 $0x0;
	v2 =	vsel vm1, $0xFFFD8C00, v2;
	v3 =	vshll.u32 v1, $0x3  }
0x76: {  	s20 =	smin.u32 s20, $0x10;
	v3 =	vand.u32 $0xFFFFFC00, v3  }
0x77: {  	v1 =	vand.u32 $0x7F, v1;
	v2 =	vadd.s32 v2, v3;
	v3 =	vmov s20  }
0x78: {  	v1 =	vor.u32 v1, v2;
	vm1 =	vgt.u32 v3, v0  }
0x79: {  	v2 =	vnsel vm1, $0x7FFFFFFF, v1;
	v3 =	vor.u32 $0x80, v1;
	v4 =	vor.u32 $0x100, v1  }
0x7a: {  	v5 =	vor.u32 $0x180, v1;
	v6 =	vor.u32 $0x200, v1;
	v7 =	vor.u32 $0x280, v1  }
0x7b: {  	v8 =	vor.u32 $0x300, v1;
	v1 =	vor.u32 $0x380, v1  }
0x7c: {  	v3 =	vnsel vm1, $0x7FFFFFFF, v3  }
0x7d: {  	s20 =	sadd.s32 s17, s16;
	s17 =	smov.u32 s21;
	(ifvalue) =	ssetifvalue $0x7FFFFFFF  }
0x7e: {  	[tilespmem:s20], [sflag:$0x1] =	stream.indirect_vreg.gather [hbm4b:s5+s10], $0x1, v2, vm0, $0x4038;
	[tilespmem:$0x900] =	vst v63  }
0x7f: {  	v2 =	vnsel vm1, $0x7FFFFFFF, v4;
	(ifvalue) =	ssetifvalue $0x7FFFFFFF  }
0x80: {  	s21 =	sadd.s32 $0x80, s20;
	(ifvalue) =	ssetifvalue $0x7FFFFFFF  }
0x81: {  	[tilespmem:s21], [sflag:$0x1] =	stream.indirect_vreg.gather [hbm4b:s5+s10], $0x1, v3, vm0, $0x4038;
	[tilespmem:$0x900] =	vst v63  }
0x82: {  	v3 =	vnsel vm1, $0x7FFFFFFF, v5;
	(ifvalue) =	ssetifvalue $0x7FFFFFFF  }
0x83: {  	s21 =	sadd.s32 $0x100, s20;
	(ifvalue) =	ssetifvalue $0x7FFFFFFF  }
0x84: {  	[tilespmem:s21], [sflag:$0x1] =	stream.indirect_vreg.gather [hbm4b:s5+s10], $0x1, v2, vm0, $0x4038;
	[tilespmem:$0x900] =	vst v63  }
0x85: {  	v2 =	vnsel vm1, $0x7FFFFFFF, v6;
	(ifvalue) =	ssetifvalue $0x7FFFFFFF  }
0x86: {  	s21 =	sadd.s32 $0x180, s20;
	(ifvalue) =	ssetifvalue $0x7FFFFFFF  }
0x87: {  	[tilespmem:s21], [sflag:$0x1] =	stream.indirect_vreg.gather [hbm4b:s5+s10], $0x1, v3, vm0, $0x4038;
	[tilespmem:$0x900] =	vst v63  }
0x88: {  	v3 =	vnsel vm1, $0x7FFFFFFF, v7;
	(ifvalue) =	ssetifvalue $0x7FFFFFFF  }
0x89: {  	s21 =	sadd.s32 $0x200, s20;
	(ifvalue) =	ssetifvalue $0x7FFFFFFF  }
0x8a: {  	[tilespmem:s21], [sflag:$0x1] =	stream.indirect_vreg.gather [hbm4b:s5+s10], $0x1, v2, vm0, $0x4038;
	[tilespmem:$0x900] =	vst v63  }
0x8b: {  	v2 =	vnsel vm1, $0x7FFFFFFF, v8;
	(ifvalue) =	ssetifvalue $0x7FFFFFFF  }
0x8c: {  	s21 =	sadd.s32 $0x280, s20;
	(ifvalue) =	ssetifvalue $0x7FFFFFFF  }
0x8d: {  	[tilespmem:s21], [sflag:$0x1] =	stream.indirect_vreg.gather [hbm4b:s5+s10], $0x1, v3, vm0, $0x4038;
	[tilespmem:$0x900] =	vst v63  }
.Ltmp3:
0x8e: {  	v1 =	vnsel vm1, $0x7FFFFFFF, v1;
	(ifvalue) =	ssetifvalue $0x7FFFFFFF;
	(pc) =	sbr.rel @p1 .LBB2_3-.Ltmp3, $4  }
0x8f: {  	s21 =	sadd.s32 $0x300, s20;
	(ifvalue) =	ssetifvalue $0x7FFFFFFF  }
0x90: {  	[tilespmem:s21], [sflag:$0x1] =	stream.indirect_vreg.gather [hbm4b:s5+s10], $0x1, v2, vm0, $0x4038;
	[tilespmem:$0x900] =	vst v63  }
0x91: {  	s18 =	sadd.s32 $0xFFFFFFF0, s18;
	(ifvalue) =	ssetifvalue $0x7FFFFFFF  }
0x92: {  	s21 =	sadd.s32 $0x380, s20;
	s20 =	smov.u32 s19;
	(ifvalue) =	ssetifvalue $0x7FFFFFFF  }
.Ltmp4:
0x93: {  	_ = 	snop;
	(pc) =	sbr.rel .LBB2_4-.Ltmp4, $1  }
0x94: {  	_ =	sdelay $0x3  }
.LBB2_6:
0x95: {  	_ =	sfence.sel $0x180000  }
0x96: {  	s2 =	simm.s32 $0x2;
	[bflag:$0x0] =	sbarrier.arrive $0xFFFF  }
0x97: {  	s30 =	simm.s32 $0x3;
	[sflag:s2] =	ssyncpa.u1 $0x1  }
0x98: {  	s31 =	simm.s32 $0x1;
	[sflag:s30] =	ssyncpa.u1 $0x1  }
0x99: {  	[sflag:s31] =	ssyncpa.u1 $0x1  }
0x9a: {  	p0 =	sne.s32 s0, $0x0;
	_ =	strace $0x9000004D  }
0x9b: {  	s0 =	sadd.s32 @!p0 $0x100000, s1;
	[bflag:$0x2] =	sbarrier.arrive $0xFFFF  }
0x9c: {  	[sflag:s0] =	ssyncadd.tile.s32 @!p0 $0x1;
	_ =	shalt  }
.Lfunc_end2:
_tile_overlayer_lowered:
.L_overlay_start_2:
0x9d: {  	(tag) =	ssettag $0x2  }
0x9e: {  	s0 =	rddreg [dreg:$0x0];
	s2 =	stileid.u32  }
0x9f: {  	s1 =	rddreg [dreg:$0x1];
	p0 =	sne.s32 s2, $0x0  }
0xa0: {  	s3 =	rddreg [dreg:$0x2];
	[bflag:$0x3] =	sbarrier.arrive $0xFFFF;
	s2 =	simm.s32 @!p0 $0x1C01  }
0xa1: {  	[timem:s3], [sflag:s2] =	dma.local @!p0 [hbm:s0], s1  }
0xa2: {  	s0 =	simm.s32 @!p0 $0x1  }
0xa3: {  	_ =	swait.ge @!p0 [sflag:s0], s1  }
0xa4: {  	s1 =	ssub.s32 @!p0 $0x0, s1;
	[sflag:s0] =	ssyncset.done @!p0 $0x0  }
0xa5: {  	[sflag:s0] =	ssyncadd.s32 @!p0 s1  }
0xa6: {  	[bflag:$0x3] =	sbarrier.arrive $0xFFFF  }
0xa7: {  	_ =	shalt  }

// kernel: gather_offload_async_start
scs
__scs_entry_jumppad:
0x0: {  	(pc) =	sbr.rel $0x88, $3  }
0x1: {  	(tag) =	ssettag $0x0;
	lr =	simm.s32 $0x1  }
0x2: {  	[smem:$0x3F9E] =	sst lr;
	_ =	strace $0xD0000000  }
0x3: {  	_ = 	snop  }
0x4: {  	_ = 	snop  }
0x5: {  	_ = 	snop  }
0x6: {  	_ = 	snop  }
0x7: {  	_ = 	snop  }
__scs_overlays_trampoline_lowered:
0x8: {  	[smem:$0x3FAD] =	sst s0  }
0x9: {  	[smem:$0x3FAE] =	sst s1  }
0xa: {  	[smem:$0x3FAF] =	sst s2  }
0xb: {  	[smem:$0x3FB0] =	sst s3  }
0xc: {  	[smem:$0x3FB1] =	sst s4  }
0xd: {  	[smem:$0x3FB2] =	sst s5  }
0xe: {  	[smem:$0x3FB3] =	sst s6  }
0xf: {  	[smem:$0x3FB4] =	sst s7  }
0x10: {  	[smem:$0x3FB5] =	sst s8  }
0x11: {  	[smem:$0x3FB6] =	sst s9;
	s0 =	simm.s32 @!p0 $0x0  }
0x12: {  	s1 =	sld [smem:$0x3F9C];
	s0 =	simm.s32 @p0 $0x1  }
0x13: {  	[smem:$0x3FB7] =	sst s0;
	s0 =	simm.s32 @!p1 $0x0  }
0x14: {  	s2 =	sld [smem:$0x3F9B];
	s0 =	simm.s32 @p1 $0x1  }
0x15: {  	[smem:$0x3FB8] =	sst s0;
	s0 =	simm.s32 @!p2 $0x0  }
0x16: {  	s3 =	sld [smem:$0x3FDB];
	s0 =	simm.s32 @p2 $0x1  }
0x17: {  	s4 =	simm.s32 $0x1BF5;
	[smem:$0x3FBA] =	sst s0  }
0x18: {  	s0 =	sld [smem:$0x3F9D];
	_ =	swait.ge [sflag:s4], $0x0  }
0x19: {  	s7 =	sld [smem:$0x3F9E]  }
0x1a: {  	s8 =	sadd.s32 $0xFFFFE003, lr  }
0x1b: {  	s9 =	sadd.s32 $0xFFFFFEF7, lr;
	s5 =	simm.s32 $0xFFFFFFFF;
	p2 =	slt.u32 s8, $0xFFFFF086  }
0x1c: {  	p1 =	slt.u32 s9, $0xF7A;
	s5 =	simm.s32 @!p2 $0x0  }
0x1d: {  	s5 =	simm.s32 @p1 $0x1;
	p0 =	seq.s32 s7, s2  }
0x1e: {  	s7 =	smul.u32 @!p0 $0xF7A, s2;
	p2 =	seq.s32 @!p0 s5, $0x0  }
0x1f: {  	s9 =	smul.u32 $0xF7A, s1;
	s8 =	simm.s32 @!p0 $0x1BF5;
	p2 =	por !p2, p0  }
0x20: {  	[sflag:s8] =	ssyncset.s32 @!p0 $0xFFFFF086;
	s6 =	sadd.s32 @!p0 s3, s7;
	s7 =	simm.s32 @!p0 $0x108  }
0x21: {  	s3 =	sadd.s32 s3, s9;
	s6 =	sadd.s32 @!p0 $0x88, s6;
	s7 =	simm.s32 @p2 $0x1082  }
0x22: {  	[simem:s7], [sflag:s8] =	dma.local @!p0 [hbm:s6], $0xF7A  }
0x23: {  	s9 =	sor.u32 $0xD0000000, s2;
	s6 =	simm.s32 $0x108;
	_ =	swait.ge @!p0 [sflag:s8], $0x0  }
0x24: {  	s3 =	sadd.s32 $0x88, s3;
	s6 =	simm.s32 @!p1 $0x1082;
	[sflag:s4] =	ssyncset.s32 $0xFFFFF086  }
0x25: {  	[simem:s6], [sflag:s4] =	dma.local [hbm:s3], $0xF7A  }
0x26: {  	[smem:$0x3F9E] =	sst s1;
	(tag) =	ssettag s2;
	_ =	strace s9  }
0x27: {  	s1 =	sld [smem:$0x3FAE]  }
0x28: {  	s2 =	sld [smem:$0x3FAF]  }
0x29: {  	s4 =	sld [smem:$0x3FB1]  }
0x2a: {  	p0 =	seq.s32 s5, $0x0;
	s5 =	sld [smem:$0x3FB2]  }
0x2b: {  	s6 =	sld [smem:$0x3FB3]  }
0x2c: {  	s7 =	sld [smem:$0x3FB4]  }
0x2d: {  	s3 =	simm.s32 $0x108;
	s8 =	sld [smem:$0x3FB5]  }
0x2e: {  	s3 =	simm.s32 @!p0 $0x1082;
	s9 =	sld [smem:$0x3FB6]  }
0x2f: {  	lr =	sadd.s32 s0, s3;
	s0 =	sld [smem:$0x3FAD]  }
0x30: {  	s3 =	sld [smem:$0x3FB0]  }
0x31: {  	[smem:$0x3FB9] =	sst s10  }
0x32: {  	s10 =	sld [smem:$0x3FB7];
	_ =	sdelay $0x3  }
0x33: {  	p0 =	seq.s32 s10, $0x1;
	s10 =	sld [smem:$0x3FB9];
	_ =	sdelay $0x3  }
0x34: {  	[smem:$0x3FB9] =	sst s10  }
0x35: {  	s10 =	sld [smem:$0x3FB8];
	_ =	sdelay $0x3  }
0x36: {  	p1 =	seq.s32 s10, $0x1;
	s10 =	sld [smem:$0x3FB9];
	_ =	sdelay $0x3  }
0x37: {  	[smem:$0x3FB9] =	sst s10  }
0x38: {  	s10 =	sld [smem:$0x3FBA]  }
0x39: {  	_ = 	snop;
	(pc) =	sbr.ind lr, $3  }
0x3a: {  	_ = 	snop  }
0x3b: {  	_ = 	snop  }
0x3c: {  	p2 =	seq.s32 s10, $0x1;
	s10 =	sld [smem:$0x3FB9]  }
0x3d: {  	_ =	shalt  }
0x3e: {  	_ =	shalt  }
0x3f: {  	_ =	shalt  }
0x40: {  	_ =	shalt  }
0x41: {  	_ =	shalt  }
0x42: {  	_ =	shalt  }
0x43: {  	_ =	shalt  }
0x44: {  	_ =	shalt  }
0x45: {  	_ =	shalt  }
0x46: {  	_ =	shalt  }
0x47: {  	_ =	shalt  }
0x48: {  	_ =	shalt  }
0x49: {  	_ =	shalt  }
0x4a: {  	_ =	shalt  }
0x4b: {  	_ =	shalt  }
0x4c: {  	_ =	shalt  }
0x4d: {  	_ =	shalt  }
0x4e: {  	_ =	shalt  }
0x4f: {  	_ =	shalt  }
0x50: {  	_ =	shalt  }
0x51: {  	_ =	shalt  }
0x52: {  	_ =	shalt  }
0x53: {  	_ =	shalt  }
0x54: {  	_ =	shalt  }
0x55: {  	_ =	shalt  }
0x56: {  	_ =	shalt  }
0x57: {  	_ =	shalt  }
0x58: {  	_ =	shalt  }
0x59: {  	_ =	shalt  }
0x5a: {  	_ =	shalt  }
0x5b: {  	_ =	shalt  }
0x5c: {  	_ =	shalt  }
0x5d: {  	_ =	shalt  }
0x5e: {  	_ =	shalt  }
0x5f: {  	_ =	shalt  }
0x60: {  	_ =	shalt  }
0x61: {  	_ =	shalt  }
0x62: {  	_ =	shalt  }
0x63: {  	_ =	shalt  }
0x64: {  	_ =	shalt  }
0x65: {  	_ =	shalt  }
0x66: {  	_ =	shalt  }
0x67: {  	_ =	shalt  }
0x68: {  	_ =	shalt  }
0x69: {  	_ =	shalt  }
0x6a: {  	_ =	shalt  }
0x6b: {  	_ =	shalt  }
0x6c: {  	_ =	shalt  }
0x6d: {  	_ =	shalt  }
0x6e: {  	_ =	shalt  }
0x6f: {  	_ =	shalt  }
0x70: {  	_ =	shalt  }
0x71: {  	_ =	shalt  }
0x72: {  	_ =	shalt  }
0x73: {  	_ =	shalt  }
0x74: {  	_ =	shalt  }
0x75: {  	_ =	shalt  }
0x76: {  	_ =	shalt  }
0x77: {  	_ =	shalt  }
0x78: {  	_ =	shalt  }
0x79: {  	_ =	shalt  }
0x7a: {  	_ =	shalt  }
0x7b: {  	_ =	shalt  }
0x7c: {  	_ =	shalt  }
0x7d: {  	_ =	shalt  }
0x7e: {  	_ =	shalt  }
0x7f: {  	_ =	shalt  }
0x80: {  	_ =	shalt  }
0x81: {  	_ =	shalt  }
0x82: {  	_ =	shalt  }
0x83: {  	_ =	shalt  }
0x84: {  	_ =	shalt  }
0x85: {  	_ =	shalt  }
0x86: {  	_ =	shalt  }
0x87: {  	_ =	shalt  }
.Lfunc_end0:
.L_simem_size_0:
called_computation_lowered:
.L_overlay_start_0:
0x88: {  	s2 =	sld [smem:$0x3FD9]  }
0x89: {  	s3 =	sld [smem:$0x3FFE];
	_ =	sdelay $0x1  }
0x8a: {  	s1 =	srdreg.scid  }
0x8b: {  	s0 =	sand.u32 $0x1, s1  }
0x8c: {  	s14 =	sshll.u32 s0, $0xA;
	s2 =	sadd.s32 s3, s2  }
0x8d: {  	s2 =	sadd.s32 s2, s14  }
0x8e: {  	[smem:$0x3FC5] =	sst s2  }
0x8f: {  	_ = 	snop  }
0x90: {  	s2 =	sld [smem:$0x3FD0];
	_ =	sdelay $0x2  }
0x91: {  	s15 =	simm.s32 $0xA;
	s4 =	simm.s32 $0x10  }
0x92: {  	[smem:s4], [sflag:s15] =	dma.local [hbm:s2], $0x1  }
0x93: {  	_ =	swait.eq [sflag:s15], $0x1  }
0x94: {  	[sflag:s15] =	ssyncset.done $0x0  }
0x95: {  	[sflag:s15] =	ssyncadd.s32 $0xFFFFFFFF  }
0x96: {  	s16 =	sld [smem:$0x12];
	(tm) =	ssettm $0x1  }
0x97: {  	s17 =	sld [smem:$0x3FFB];
	_ =	sdelay $0x3  }
0x98: {  	_ =	strace s17  }
0x99: {  	s3 =	sld [smem:$0x3FFC];
	_ =	sdelay $0x3  }
0x9a: {  	_ =	strace s3  }
0x9b: {  	s3 =	sld [smem:$0x3FFD];
	_ =	sdelay $0x3  }
0x9c: {  	_ =	strace s3  }
0x9d: {  	_ =	strace $0x8FFFFFFF  }
0x9e: {  	s18 =	sld [smem:$0x3FDB];
	_ =	sdelay $0x1  }
0x9f: {  	s19 =	simm.s32 $_scs_section_size  }
0xa0: {  	s5 =	simm.s32 $_size__tile_overlayer_lowered;
	s6 =	simm.s32 $_tile_overlayer_lowered  }
0xa1: {  	s22 =	simm.s32 $0x1BFF;
	s21 =	sshll.u32 s6, $0x1;
	s3 =	sadd.s32 s19, s18  }
0xa2: {  	s7 =	simm.s32 $0x0;
	s20 =	sshll.u32 s5, $0x1;
	s5 =	sadd.s32 s21, s3  }
0xa3: {  	[timem:s7], [sflag:s22] =	dma.local [hbm:s5], s20  }
0xa4: {  	_ =	swait.ge [sflag:s22], s20  }
0xa5: {  	s4 =	ssub.s32 $0x0, s20;
	[sflag:s22] =	ssyncset.done $0x0  }
0xa6: {  	[sflag:s22] =	ssyncadd.s32 s4;
	_ =	sdelay $0x1  }
0xa7: {  	s23 =	simm.s32 $0x1B8B  }
0xa8: {  	_ =	swait.ge [sflag:s23], $0x1  }
0xa9: {  	[sflag:s23] =	ssyncset.done $0x0  }
0xaa: {  	s25 =	simm.s32 $0x1B8E;
	s24 =	sld [smem:$0x3FFE];
	[sflag:s23] =	ssyncadd.s32 $0xFFFFFFFF  }
0xab: {  	s26 =	simm.s32 $execute0_lowered;
	[smem:$0x3FD2] =	sst s25  }
0xac: {  	s5 =	sshll.u32 s26, $0x1;
	_ =	strace $0x80000046;
	[dreg:$0x1] =	wrdreg $0xFFFFFFFF  }
0xad: {  	s28 =	simm.s32 $_size_execute0_lowered;
	s3 =	sadd.s32 s3, s5;
	[dreg:$0x0] =	wrdreg $0x0  }
0xae: {  	s5 =	sshll.u32 s28, $0x1;
	[dreg:$0x2] =	wrdreg s3  }
0xaf: {  	[dreg:$0x3] =	wrdreg s5  }
0xb0: {  	[dreg:$0x4] =	wrdreg $0xC0  }
0xb1: {  	_ =	task [dreg:s7], $0x5FFFF  }
0xb2: {  	[dreg:$0x1] =	wrdreg $0xFFFFFFFF  }
0xb3: {  	[dreg:$0x0] =	wrdreg $0x60  }
0xb4: {  	[dreg:$0x2] =	wrdreg s24  }
0xb5: {  	[dreg:$0x3] =	wrdreg s16  }
0xb6: {  	[dreg:$0x4] =	wrdreg $0x9  }
0xb7: {  	_ =	task.clear_ibuf [dreg:s7], $0x5FFFF;
	_ =	strace $0x90000046  }
0xb8: {  	s29 =	simm.s32 $0x9;
	_ =	strace $0x80000048  }
0xb9: {  	_ =	swait.ge [sflag:s29], $0x1  }
0xba: {  	[sflag:s29] =	ssyncadd.s32 $0xFFFFFFFF  }
0xbb: {  	_ =	strace $0x90000048  }
0xbc: {  	_ =	sfence  }
0xbd: {  	s30 =	sld [smem:$0x0];
	_ =	sdelay $0x2  }
0xbe: {  	s31 =	sshll.u32 s1, $0xD;
	s1 =	sshrl.u32 s1, $0x2  }
0xbf: {  	s3 =	sand.u32 $0x4000, s31;
	s1 =	sadd.s32 s1, s30  }
0xc0: {  	s0 =	sor.u32 s3, s0;
	s1 =	sshll.u32 s1, $0x11  }
0xc1: {  	s0 =	sor.u32 s1, s0  }
0xc2: {  	s0 =	sadd.s32 $0x8F2B, s0  }
0xc3: {  	[sflag:s0] =	ssyncadd.remote.s32 $0x1  }
0xc4: {  	_ =	sfence.sel $0xFFFF  }
0xc5: {  	[dreg:$0x0] =	wrdreg $0xFFFFFFFF;
	(pc) =	sbr.abs _section_cstart, $3  }
0xc6: {  	[dreg:$0x1] =	wrdreg $0xFFFFFFFF  }
0xc7: {  	_ =	task.clear_ibuf [dreg:s7], $0x2FFFF;
	_ =	strace $0x9FFFFFFF  }
0xc8: {  	(tm) =	ssettm $0x7FFFFFFF  }
0xc9: {  	_ =	shalt  }
tec
execute0_lowered:
.L_overlay_start_1:
0x0: {  	(tag) =	ssettag $0x1  }
0x1: {  	s2 =	rddreg [dreg:$0x0];
	s0 =	srdreg.scid  }
0x2: {  	s3 =	rddreg [dreg:$0x1];
	s1 =	stileid.u32;
	s6 =	simm.s32 $0x2  }
0x3: {  	s4 =	sshll.u32 s0, $0x4;
	s0 =	rddreg [dreg:$0x2];
	_ =	strace $0x80000047  }
.Ltmp0:
0x4: {  	s5 =	sand.u32 $0x10, s4;
	s4 =	simm.s32 $0x1;
	(pc) =	sbr.rel .LBB2_1-.Ltmp0, $4  }
0x5: {  	s9 =	simm.s32 $0x3;
	s5 =	sor.u32 s1, s5;
	[sflag:s4] =	ssyncpa.u1 $0x0  }
0x6: {  	s12 =	simm.s32 $0x0;
	s5 =	smul.u32 $0xC0, s5;
	[sflag:s6] =	ssyncpa.u1 $0x0  }
0x7: {  	s10 =	simm.s32 $0x0;
	s7 =	sadd.s32 $0x4E2000, s2;
	[sflag:s9] =	ssyncpa.u1 $0x0  }
0x8: {  	vm0 =	vmmov $0xff;
	vm1 =	vcmask $0x3F20;
	s9 =	simm.s32 $0xC0;
	s8 =	sadd.s32 $0xC0, s5;
	s11 =	smov.u32 s5  }
.LBB2_10:
0x9: {  	s12 =	sshrl.u32 s11, $0x3  }
0xa: {  	s13 =	sand.u32 $0x7, s11;
	s12 =	sadd.s32 s3, s12  }
0xb: {  	[tilespmem:s9], [sflag:$0x2] =	stream.linear.gather [hbm4b:s12+s13], $0xC0, $0x38;
	[tilespmem:$0xC180] =	vst v63  }
.LBB2_8:
0xc: {  	s12 =	sadd.s32 $0xC0, s11  }
0xd: {  	s13 =	smov.u32 s5;
	p0 =	slt.s32 s12, s8  }
0xe: {  	s13 =	smov.u32 @p0 s12  }
0xf: {  	s10 =	sadd.s32 $0x1, s10;
	s12 =	smov.u32 s11;
	s11 =	smov.u32 s13  }
.LBB2_1:
0x10: {  	p0 =	seq.s32 s10, $0x0  }
.Ltmp1:
0x11: {  	_ = 	snop;
	(pc) =	sbr.rel @p0 .LBB2_10-.Ltmp1, $1  }
0x12: {  	_ =	sdelay $0x3  }
0x13: {  	p0 =	seq.s32 s10, $0x1  }
.Ltmp2:
0x14: {  	_ = 	snop;
	(pc) =	sbr.rel @!p0 .LBB2_9-.Ltmp2, $1  }
0x15: {  	_ =	sdelay $0x3  }
0x16: {  	_ =	swait.ge [sflag:s6], $0xC0  }
0x17: {  	[sflag:s6] =	ssyncset.done $0x0  }
0x18: {  	s13 =	simm.s32 $0x0;
	[sflag:s6] =	ssyncadd.s32 $0xFFFFFF40  }
0x19: {  	v0 =	vld.msk [tilespmem:s13+$0xC0 ss:$0x1], $0xffff;
	_ =	sdelay $0x4  }
0x1a: {  	v1 =	vand.u32 $0xF, v0;
	v2 =	vshll.u32 v0, $0x3  }
0x1b: {  	vm2 =	veq.s32 v0, $0x80000000;
	v0 =	vmul.u32 $0x271000, v1;
	v1 =	vand.u32 $0x3FFF80, v2  }
0x1c: {  	v1 =	vsel vm2, $0xFFFFFF80, v1  }
0x1d: {  	v0 =	vsel vm2, $0xFFD8F000, v0;
	v2 =	vand.u32 $0xFFFFFC00, v1  }
0x1e: {  	v1 =	vand.u32 $0x380, v1;
	v0 =	vadd.s32 v0, v2  }
0x1f: {  	v0 =	vor.u32 v1, v0  }
0x20: {  	v0 =	vshrl.u32 v0, $0x3;
	_ =	sdelay $0x3  }
0x21: {  	s13 =	simm.s32 $0x6180  }
0x22: {  	[tilespmem:s13], [sflag:$0x1] =	stream.indirect_vreg.gather [hbm:s2], $0x80, v0, vm0, $0x38;
	[tilespmem:$0xC180] =	vst v63  }
0x23: {  	s14 =	simm.s32 $0x6580;
	s31 =	simm.s32 $0x10  }
0x24: {  	[tilespmem:s14], [sflag:$0x1] =	stream.indirect_vreg.gather [hbm:s2], $0x80, v0, vm1, $0x38;
	[tilespmem:$0xC180] =	vst v63  }
0x25: {  	s14 =	simm.s32 $0x80;
	v0 =	vld.msk [tilespmem:s31+$0xC0 ss:$0x1], $0xffff  }
.LBB2_4:
0x26: {  	p0 =	sne.s32 s14, $0x2C0;
	_ =	sdelay $0x4  }
0x27: {  	v1 =	vand.u32 $0xF, v0;
	v2 =	vshll.u32 v0, $0x3  }
0x28: {  	vm2 =	veq.s32 v0, $0x80000000;
	v0 =	vmul.u32 $0x271000, v1;
	v1 =	vand.u32 $0x3FFF80, v2  }
0x29: {  	v1 =	vsel vm2, $0xFFFFFF80, v1  }
0x2a: {  	v0 =	vsel vm2, $0xFFD8F000, v0;
	v2 =	vand.u32 $0xFFFFFC00, v1  }
0x2b: {  	v1 =	vand.u32 $0x380, v1;
	v0 =	vadd.s32 v0, v2  }
0x2c: {  	v0 =	vor.u32 v1, v0  }
0x2d: {  	v0 =	vshrl.u32 v0, $0x3;
	_ =	sdelay $0x3  }
.Ltmp3:
0x2e: {  	s13 =	sadd.s32 $0x800, s13;
	(pc) =	sbr.rel @p0 .LBB2_4-.Ltmp3, $4  }
0x2f: {  	[tilespmem:s13], [sflag:$0x1] =	stream.indirect_vreg.gather [hbm:s2], $0x80, v0, vm0, $0x38;
	[tilespmem:$0xC180] =	vst v63  }
0x30: {  	s15 =	sshra.s32 s14, $0x2;
	s16 =	sadd.s32 $0x400, s13  }
0x31: {  	[tilespmem:s16], [sflag:$0x1] =	stream.indirect_vreg.gather [hbm:s2], $0x80, v0, vm1, $0x38;
	[tilespmem:$0xC180] =	vst v63  }
0x32: {  	s14 =	sadd.s32 $0x40, s14;
	v0 =	vld.msk [tilespmem:s15+$0xC0 ss:$0x1], $0xffff  }
0x33: {  	_ =	sdelay $0x3  }
0x34: {  	v1 =	vand.u32 $0xF, v0;
	v2 =	vshll.u32 v0, $0x3  }
0x35: {  	vm2 =	veq.s32 v0, $0x80000000;
	v61 =	vmul.u32 $0x271000, v1;
	v62 =	vand.u32 $0x3FFF80, v2  }
0x36: {  	v1 =	vsel vm2, $0xFFFFFF80, v62  }
0x37: {  	v0 =	vsel vm2, $0xFFD8F000, v61;
	v63 =	vand.u32 $0xFFFFFC00, v1  }
0x38: {  	v1 =	vand.u32 $0x380, v1;
	v0 =	vadd.s32 v0, v63  }
0x39: {  	v0 =	vor.u32 v1, v0  }
0x3a: {  	v0 =	vshrl.u32 v0, $0x3;
	_ =	sdelay $0x3  }
0x3b: {  	s13 =	sadd.s32 $0x800, s13  }
0x3c: {  	[tilespmem:s13], [sflag:$0x1] =	stream.indirect_vreg.gather [hbm:s2], $0x80, v0, vm0, $0x38;
	[tilespmem:$0xC180] =	vst v63  }
0x3d: {  	s13 =	sadd.s32 $0x400, s13  }
0x3e: {  	[tilespmem:s13], [sflag:$0x1] =	stream.indirect_vreg.gather [hbm:s2], $0x80, v0, vm1, $0x38;
	[tilespmem:$0xC180] =	vst v63  }
0x3f: {  	s12 =	sshll.u32 s12, $0x4;
	s14 =	simm.s32 $0x80;
	_ =	swait.ge [sflag:s4], $0x6000  }
0x40: {  	s15 =	simm.s32 $0x6580;
	s12 =	sadd.s32 s12, s7;
	[sflag:s4] =	ssyncset.done $0x0  }
0x41: {  	s16 =	sadd.s32 $0x0, s12;
	s13 =	simm.s32 $0x6180;
	[sflag:s4] =	ssyncadd.s32 $0xFFFFA000  }
.LBB2_6:
0x42: {  	[hbm:s16] =	stream.linear.scatter [tilespmem:s13], [sflag:$0x3], $0x400, $0x38;
	[tilespmem:$0xC180] =	vst v63  }
0x43: {  	s16 =	smov.u32 s14;
	s13 =	smov.u32 s15;
	p0 =	seq.s32 s14, $0xB80  }
.Ltmp4:
0x44: {  	s14 =	sadd.s32 $0x80, s14;
	(pc) =	sbr.rel @!p0 .LBB2_6-.Ltmp4, $2  }
0x45: {  	_ =	sdelay $0x2  }
0x46: {  	s15 =	sadd.s32 $0x400, s15;
	s16 =	sadd.s32 s16, s12  }
.Ltmp5:
0x47: {  	(pc) =	sbr.rel .LBB2_8-.Ltmp5, $2  }
0x48: {  	_ =	sdelay $0x2  }
0x49: {  	[hbm:s16] =	stream.linear.scatter [tilespmem:s13], [sflag:$0x3], $0x400, $0x38;
	[tilespmem:$0xC180] =	vst v63  }
.LBB2_9:
0x4a: {  	s2 =	simm.s32 $0x3  }
0x4b: {  	_ =	swait.ge [sflag:s2], $0x6000  }
0x4c: {  	[sflag:s2] =	ssyncset.done $0x0  }
0x4d: {  	[sflag:s2] =	ssyncadd.s32 $0xFFFFA000  }
0x4e: {  	_ =	sfence.sel $0x180000  }
0x4f: {  	s3 =	simm.s32 $0x2;
	[bflag:$0x0] =	sbarrier.arrive $0xFFFF  }
0x50: {  	[sflag:s3] =	ssyncpa.u1 $0x1  }
0x51: {  	s31 =	simm.s32 $0x1;
	[sflag:s2] =	ssyncpa.u1 $0x1  }
0x52: {  	[sflag:s31] =	ssyncpa.u1 $0x1  }
0x53: {  	p0 =	sne.s32 s1, $0x0;
	_ =	strace $0x90000047  }
0x54: {  	s0 =	sadd.s32 @!p0 $0x100000, s0;
	[bflag:$0x2] =	sbarrier.arrive $0xFFFF  }
0x55: {  	[sflag:s0] =	ssyncadd.tile.s32 @!p0 $0x1;
	_ =	shalt  }
.Lfunc_end2:
_tile_overlayer_lowered:
.L_overlay_start_2:
0x56: {  	(tag) =	ssettag $0x2  }
0x57: {  	s0 =	rddreg [dreg:$0x0];
	s2 =	stileid.u32  }
0x58: {  	s1 =	rddreg [dreg:$0x1];
	p0 =	sne.s32 s2, $0x0  }
0x59: {  	s3 =	rddreg [dreg:$0x2];
	[bflag:$0x3] =	sbarrier.arrive $0xFFFF;
	s2 =	simm.s32 @!p0 $0x1C01  }
0x5a: {  	[timem:s3], [sflag:s2] =	dma.local @!p0 [hbm:s0], s1  }
0x5b: {  	s0 =	simm.s32 @!p0 $0x1  }
0x5c: {  	_ =	swait.ge @!p0 [sflag:s0], s1  }
0x5d: {  	s1 =	ssub.s32 @!p0 $0x0, s1;
	[sflag:s0] =	ssyncset.done @!p0 $0x0  }
0x5e: {  	[sflag:s0] =	ssyncadd.s32 @!p0 s1  }
0x5f: {  	[bflag:$0x3] =	sbarrier.arrive $0xFFFF  }
0x60: {  	_ =	shalt  }

</sc_bundles>
